<compile_context>
chip_gen: v7x
topology: tpu7x:2x2x1
jax: 0.10.2.dev20260603
libtpu: 0.0.44.dev20260713+nightly
codegen_flags: <defaults>
</compile_context>

<pallas_src>
import functools
import math

import jax
import jax.numpy as jnp
import numpy as np
from jax import lax
from jax.experimental import pallas as pl
from jax.experimental.pallas import tpu as pltpu
from jax.experimental.pallas import tpu_sc as plsc

K = 16
O = 8
N = 384
NF = 193
NFP = 256


def _dft_constants():
    n = np.arange(N, dtype=np.int64)
    k = np.arange(NFP, dtype=np.int64)
    ang = -2.0 * np.pi * ((n[:, None] * k[None, :]) % N).astype(np.float64) / N
    scale = 1.0 / N
    wr = np.cos(ang) * scale
    wi = np.sin(ang) * scale
    wr[:, NF:] = 0.0
    wi[:, NF:] = 0.0
    h = N // 2
    n2 = np.arange(h, dtype=np.int64)
    ang2 = -2.0 * np.pi * ((n2[:, None] * n2[None, :]) % h).astype(np.float64) / h
    fr = np.cos(ang2)
    fi = np.sin(ang2)
    tw = -2.0 * np.pi * n2.astype(np.float64) / N
    twr, twi = np.cos(tw)[None, :], np.sin(tw)[None, :]
    fwr = fr * twr - fi * twi
    fwi = fr * twi + fi * twr
    return (wr.astype(np.float32), wi.astype(np.float32),
            fr.astype(np.float32), fi.astype(np.float32),
            (fr + fi).astype(np.float32),
            fwr.astype(np.float32), fwi.astype(np.float32),
            (fwr + fwi).astype(np.float32))


_BF16 = jnp.bfloat16


_WR, _WI, _FR, _FI, _FRPI, _FWR, _FWI, _FWRPI = _dft_constants()
_H = N // 2


def _spec_kernel(x1_ref, x2_ref, wrwi_ref, fr_ref, fi_ref, frpi_ref, fwr_ref,
                 fwi_ref, fwrpi_ref, out_ref, *, cpb, nsteps, inv_c):
    c = pl.program_id(1)
    half = cpb // 2
    ru, iu, su, rd, sd, id_ = [], [], [], [], [], []
    for j in range(cpb):
        xr = x1_ref if j < half else x2_ref
        xi = xr[0, j % half].astype(_BF16)
        aa = jnp.dot(xi, wrwi_ref[...],
                     preferred_element_type=jnp.float32).astype(_BF16)
        u_r = aa[:_H, :NFP] + aa[_H:, :NFP]
        u_i = aa[:_H, NFP:] + aa[_H:, NFP:]
        d_r = aa[:_H, :NFP] - aa[_H:, :NFP]
        d_i = aa[:_H, NFP:] - aa[_H:, NFP:]
        ru.append(u_r)
        iu.append(u_i)
        su.append(u_r + u_i)
        rd.append(d_r)
        id_.append(d_i)
        sd.append(d_r + d_i)
    ru_cat = jnp.concatenate(ru, axis=1)
    iu_cat = jnp.concatenate(iu, axis=1)
    su_cat = jnp.concatenate(su, axis=1)
    rd_cat = jnp.concatenate(rd, axis=1)
    id_cat = jnp.concatenate(id_, axis=1)
    sd_cat = jnp.concatenate(sd, axis=1)
    te1 = jnp.dot(fr_ref[...], ru_cat, preferred_element_type=jnp.float32)
    te2 = jnp.dot(fi_ref[...], iu_cat, preferred_element_type=jnp.float32)
    te3 = jnp.dot(frpi_ref[...], su_cat, preferred_element_type=jnp.float32)
    to1 = jnp.dot(fwr_ref[...], rd_cat, preferred_element_type=jnp.float32)
    to2 = jnp.dot(fwi_ref[...], id_cat, preferred_element_type=jnp.float32)
    to3 = jnp.dot(fwrpi_ref[...], sd_cat, preferred_element_type=jnp.float32)
    yre = te1 - te2
    yie = te3 - te1 - te2
    mage = jnp.sqrt(yre * yre + yie * yie)
    yro = to1 - to2
    yio = to3 - to1 - to2
    mago = jnp.sqrt(yro * yro + yio * yio)
    me = mage[:, :NFP]
    mo = mago[:, :NFP]
    for j in range(1, cpb):
        me = me + mage[:, j * NFP:(j + 1) * NFP]
        mo = mo + mago[:, j * NFP:(j + 1) * NFP]
    msum = jnp.concatenate([me, mo], axis=0)

    @pl.when(c == 0)
    def _():
        out_ref[0] = msum

    @pl.when(c != 0)
    def _():
        out_ref[0] = out_ref[0] + msum

    @pl.when(c == nsteps - 1)
    def _():
        out_ref[0] = jnp.log1p(out_ref[0] * inv_c)


_NBINS = 128
_NLANES = 16


def _tc_hist_kernel(spec_ref, cb_ref, wt_ref, bvec_ref, out_ref, *, bsz):
    mag = spec_ref[...]
    cbv = cb_ref[...]
    rb = lax.shift_right_logical(cbv, 3)
    ob = lax.bitwise_and(cbv, 7)
    cols = []
    for s in range(K):
        cols.append(jnp.sum(jnp.where(rb == s, mag, 0.0), axis=1, keepdims=True))
    for s in range(O):
        cols.append(jnp.sum(jnp.where(ob == s, mag, 0.0), axis=1, keepdims=True))
    h = jnp.concatenate(cols, axis=1)
    rs = jnp.sum(h[:, :K], axis=1, keepdims=True) + 1e-6
    osum = jnp.sum(h[:, K:], axis=1, keepdims=True) + 1e-6
    col = jax.lax.broadcasted_iota(jnp.int32, (bsz, K + O), 1)
    hn = h / jnp.where(col < K, rs, osum)
    out_ref[...] = (jnp.dot(hn, wt_ref[...], preferred_element_type=jnp.float32)
                    + bvec_ref[...])


def _make_sc_hist(batches, total, batch_offset):
    info = plsc.get_sparse_core_info()
    nw = info.num_cores * info.num_subcores
    wpb = nw // batches
    chunk = total // wpb
    nvec = chunk // _NLANES
    mesh = plsc.VectorSubcoreMesh(core_axis_name="c", subcore_axis_name="s")

    nacc = K + O

    @functools.partial(
        pl.kernel, mesh=mesh,
        out_type=jax.ShapeDtypeStruct((nw, nacc * _NLANES), jnp.float32),
        scratch_types=[
            pltpu.VMEM((chunk,), jnp.float32),
            pltpu.VMEM((chunk,), jnp.int32),
            pltpu.VMEM((nacc * _NLANES,), jnp.float32),
        ],
    )
    def sc_hist(spec_hbm, cb_hbm, out_hbm, val_v, idx_v, bank_v):
        wid = lax.axis_index("s") * info.num_cores + lax.axis_index("c")
        b = batch_offset + wid // wpb
        q = wid % wpb
        pltpu.sync_copy(spec_hbm.at[b, pl.ds(q * chunk, chunk)], val_v)
        pltpu.sync_copy(cb_hbm.at[pl.ds(q * chunk, chunk)], idx_v)
        zero = jnp.zeros((_NLANES,), jnp.float32)

        def body(i, accs):
            v = val_v[pl.ds(i * _NLANES, _NLANES)]
            cb = idx_v[pl.ds(i * _NLANES, _NLANES)]
            rbv = lax.shift_right_logical(cb, 3)
            obv = lax.bitwise_and(cb, 7)
            new = []
            for s in range(K):
                new.append(accs[s] + jnp.where(rbv == s, v, 0.0))
            for s in range(O):
                new.append(accs[K + s] + jnp.where(obv == s, v, 0.0))
            return tuple(new)

        accs = lax.fori_loop(0, nvec, body, (zero,) * nacc)
        for s in range(nacc):
            bank_v[pl.ds(s * _NLANES, _NLANES)] = accs[s]
        pltpu.sync_copy(bank_v, out_hbm.at[wid])

    return sc_hist


def _finish_kernel(banks_ref, t_ref, wt_ref, bvec_ref, out_ref, *, bsz, rows):
    x = banks_ref[...]
    hs = []
    for b in range(bsz):
        hs.append(jnp.sum(x[b * rows:(b + 1) * rows], axis=0, keepdims=True))
    hc = jnp.concatenate(hs, axis=0)
    h = jnp.dot(hc, t_ref[...], preferred_element_type=jnp.float32)
    rs = jnp.sum(h[:, :K], axis=1, keepdims=True) + 1e-6
    osum = jnp.sum(h[:, K:], axis=1, keepdims=True) + 1e-6
    col = jax.lax.broadcasted_iota(jnp.int32, (bsz, K + O), 1)
    hn = h / jnp.where(col < K, rs, osum)
    out_ref[...] = (jnp.dot(hn, wt_ref[...], preferred_element_type=jnp.float32)
                    + bvec_ref[...])


def _bin_ids():
    yy, xx = jnp.meshgrid(jnp.linspace(-1.0, 1.0, N),
                          jnp.linspace(0.0, 1.0, NF), indexing='ij')
    rr = jnp.clip(jnp.sqrt(yy ** 2 + xx ** 2), 0.0, 1.0 - 1e-08)
    th = jnp.arctan2(yy, xx + 1e-09) + math.pi / 2
    rb = jnp.clip((rr * K).astype(jnp.int32), 0, K - 1)
    ob = jnp.clip((th / math.pi * O).astype(jnp.int32), 0, O - 1)
    rb = jnp.pad(rb, ((0, 0), (0, NFP - NF)), constant_values=-1)
    ob = jnp.pad(ob, ((0, 0), (0, NFP - NF)), constant_values=-1)
    row_perm = jnp.concatenate([jnp.arange(0, N, 2), jnp.arange(1, N, 2)])
    rb = rb[row_perm]
    ob = ob[row_perm]
    cb = jnp.where(rb >= 0, rb * O + ob, 0).astype(jnp.int32)
    return cb.reshape(N * NFP)


_T_NP = np.zeros(((K + O) * _NLANES, K + O), dtype=np.float32)
for _s in range(K + O):
    _T_NP[_s * _NLANES:(_s + 1) * _NLANES, _s] = 1.0


def kernel(x, W, b):
    B, C = x.shape[0], x.shape[1]

    cpb = 8 if C % 8 == 0 else 1
    wrwi = jnp.concatenate([jnp.asarray(_WR, dtype=_BF16),
                            jnp.asarray(_WI, dtype=_BF16)], axis=1)
    spec = pl.pallas_call(
        functools.partial(_spec_kernel, cpb=cpb, nsteps=C // cpb,
                          inv_c=1.0 / C),
        grid=(B, C // cpb),
        in_specs=[
            pl.BlockSpec((1, cpb // 2, N, N), lambda bb, cc: (bb, 2 * cc, 0, 0)),
            pl.BlockSpec((1, cpb // 2, N, N),
                         lambda bb, cc: (bb, 2 * cc + 1, 0, 0)),
            pl.BlockSpec((N, 2 * NFP), lambda bb, cc: (0, 0)),
            pl.BlockSpec((_H, _H), lambda bb, cc: (0, 0)),
            pl.BlockSpec((_H, _H), lambda bb, cc: (0, 0)),
            pl.BlockSpec((_H, _H), lambda bb, cc: (0, 0)),
            pl.BlockSpec((_H, _H), lambda bb, cc: (0, 0)),
            pl.BlockSpec((_H, _H), lambda bb, cc: (0, 0)),
            pl.BlockSpec((_H, _H), lambda bb, cc: (0, 0)),
        ],
        out_specs=pl.BlockSpec((1, N, NFP), lambda bb, cc: (bb, 0, 0)),
        out_shape=jax.ShapeDtypeStruct((B, N, NFP), jnp.float32),
        compiler_params=pltpu.CompilerParams(
            dimension_semantics=("parallel", "arbitrary")),
    )(x, x, wrwi, jnp.asarray(_FR, dtype=_BF16), jnp.asarray(_FI, dtype=_BF16),
      jnp.asarray(_FRPI, dtype=_BF16), jnp.asarray(_FWR, dtype=_BF16),
      jnp.asarray(_FWI, dtype=_BF16), jnp.asarray(_FWRPI, dtype=_BF16))

    cb = _bin_ids()
    total = N * NFP
    spec2 = spec.reshape(B, total)
    half = B // 2
    banks = _make_sc_hist(B - half, total, half)(spec2, cb)
    out_lo = pl.pallas_call(
        functools.partial(_tc_hist_kernel, bsz=half),
        out_shape=jax.ShapeDtypeStruct((half, W.shape[0]), jnp.float32),
    )(spec2[:half], cb.reshape(1, total), W.T, b.reshape(1, -1))
    rows = banks.shape[0] // (B - half)
    out_hi = pl.pallas_call(
        functools.partial(_finish_kernel, bsz=B - half, rows=rows),
        out_shape=jax.ShapeDtypeStruct((B - half, W.shape[0]), jnp.float32),
    )(banks, jnp.asarray(_T_NP), W.T, b.reshape(1, -1))
    return jnp.concatenate([out_lo, out_hi], axis=0)

# --- scband reference (transcript-rebuilt; emitter-appended) ---
"""Pipeline reference for scband-spectrum-head-7911329759543 (READ-ONLY COPY).

The authoritative reference and input builder live on the scoring server;
editing this copy changes nothing except your own understanding.
"""

import math
import jax, jax.numpy as jnp
import numpy as np

K = 16
O = 8
PROJ = 64

def setup_inputs(seed: int = 0) -> dict:
    key = jax.random.key(seed)
    k1, k2, k3 = jax.random.split(key, 3)
    x = jax.random.normal(k1, (8, 96, 384, 384), dtype=jnp.float32)
    W = jax.random.normal(k2, (PROJ, K + O), dtype=jnp.float32) * 0.1
    b = jax.random.normal(k3, (PROJ,), dtype=jnp.float32) * 0.1
    return {"x": x, "W": W, "b": b}

def reference(x, W, b):
    B, C, H, Wd = x.shape
    # spectrum magnitude, channel-averaged
    spec = jnp.abs(jnp.fft.rfft2(x, norm='ortho')).mean(axis=1)
    H2, W2 = spec.shape[-2], spec.shape[-1]
    yy, xx = jnp.meshgrid(jnp.linspace(-1.0, 1.0, H2), jnp.linspace(0.0, 1.0, W2), indexing='ij')
    rr = jnp.clip(jnp.sqrt(yy ** 2 + xx ** 2), 0.0, 1.0 - 1e-08)
    th = jnp.arctan2(yy, xx + 1e-09) + math.pi / 2
    rb = jnp.clip((rr * K).astype(jnp.int32), 0, K - 1).reshape(-1)
    ob = jnp.clip((th / math.pi * O).astype(jnp.int32), 0, O - 1).reshape(-1)
    mag = jnp.log1p(spec).reshape(B, -1)
    # per-batch scatter-add histograms (segment reduce)
    rad = jax.vmap(lambda m: jax.ops.segment_sum(m, rb, num_segments=K))(mag)
    ang = jax.vmap(lambda m: jax.ops.segment_sum(m, ob, num_segments=O))(mag)
    rad = rad / (rad.sum(-1, keepdims=True) + 1e-06)
    ang = ang / (ang.sum(-1, keepdims=True) + 1e-06)
    h = jnp.concatenate([rad, ang], axis=1)
    return h @ W.T + b

if __name__ == "__main__":
    import jax
    _d = setup_inputs()
    print(jax.jit(kernel)(*tuple(_d.values())))

</pallas_src>

<mosaic_0001>
#map = affine_map<(d0, d1) -> (0, 0)>
#map1 = affine_map<(d0, d1) -> (0)>
module attributes {stable_mosaic.version = 14 : i64} {
  func.func @sc_hist(%arg0: i32, %arg1: i32, %arg2: memref<8x98304xf32, #tpu.memory_space<hbm>>, %arg3: memref<98304xi32, #tpu.memory_space<hbm>>, %arg4: memref<32x384xf32, #tpu.memory_space<hbm>>, %arg5: memref<12288xf32, #tpu.memory_space<vmem>>, %arg6: memref<12288xi32, #tpu.memory_space<vmem>>, %arg7: memref<384xf32, #tpu.memory_space<vmem>>) attributes {dimension_semantics = [#tpu.dimension_semantics<core_parallel>, #tpu.dimension_semantics<subcore_parallel>], iteration_bounds = array<i64: 2, 16>, scalar_prefetch = 0 : i64, scratch_operands = 3 : i64, tpu.core_type = #tpu.core_type<sc_vector_subcore>, window_params = [{transform_indices = #map}, {transform_indices = #map1}, {transform_indices = #map}]} {
    %mul3A = arith.constant 2 : i32
    %mul3A_0 = arith.muli %arg1, %mul3A : i32
    %add3A = arith.addi %mul3A_0, %arg0 : i32
    %jit3A = arith.constant 8 : i32
    %div3A = arith.divsi %add3A, %jit3A : i32
    %sign3A = arith.constant 0 : i32
    %sign3A_1 = arith.cmpi sgt, %add3A, %sign3A : i32
    %sign3A_2 = arith.extui %sign3A_1 : i1 to i32
    %sign3A_3 = arith.constant 0 : i32
    %sign3A_4 = arith.cmpi slt, %add3A, %sign3A_3 : i32
    %sign3A_5 = arith.extui %sign3A_4 : i1 to i32
    %sign3A_6 = arith.subi %sign3A_2, %sign3A_5 : i32
    %sign3A_7 = arith.constant 0 : i32
    %sign3A_8 = arith.cmpi sgt, %jit3A, %sign3A_7 : i32
    %sign3A_9 = arith.extui %sign3A_8 : i1 to i32
    %sign3A_10 = arith.constant 0 : i32
    %sign3A_11 = arith.cmpi slt, %jit3A, %sign3A_10 : i32
    %sign3A_12 = arith.extui %sign3A_11 : i1 to i32
    %sign3A_13 = arith.subi %sign3A_9, %sign3A_12 : i32
    %ne3A = arith.cmpi ne, %sign3A_6, %sign3A_13 : i32
    %rem3A = arith.remsi %add3A, %jit3A : i32
    %ne3A_14 = arith.constant 0 : i32
    %ne3A_15 = arith.cmpi ne, %rem3A, %ne3A_14 : i32
    %and3A = arith.andi %ne3A, %ne3A_15 : i1
    %sub3A = arith.constant 1 : i32
    %sub3A_16 = arith.subi %div3A, %sub3A : i32
    %select_n3A = arith.select %and3A, %sub3A_16, %div3A : i32
    %add3A_17 = arith.constant 4 : i32
    %add3A_18 = arith.addi %add3A_17, %select_n3A : i32
    %jit3A_19 = arith.constant 8 : i32
    %eq3A = arith.constant 0 : i32
    %eq3A_20 = arith.cmpi eq, %jit3A_19, %eq3A : i32
    %jit3A_21 = arith.constant 1 : i32
    %select_n3A_22 = arith.select %eq3A_20, %jit3A_21, %jit3A_19 : i32
    %rem3A_23 = arith.remsi %add3A, %select_n3A_22 : i32
    %ne3A_24 = arith.constant 0 : i32
    %ne3A_25 = arith.cmpi ne, %rem3A_23, %ne3A_24 : i32
    %lt3A = arith.constant 0 : i32
    %lt3A_26 = arith.cmpi slt, %rem3A_23, %lt3A : i32
    %lt3A_27 = arith.constant 0 : i32
    %lt3A_28 = arith.cmpi slt, %select_n3A_22, %lt3A_27 : i32
    %ne3A_29 = arith.xori %lt3A_26, %lt3A_28 : i1
    %and3A_30 = arith.andi %ne3A_29, %ne3A_25 : i1
    %add3A_31 = arith.addi %rem3A_23, %select_n3A_22 : i32
    %select_n3A_32 = arith.select %and3A_30, %add3A_31, %rem3A_23 : i32
    %mul3A_33 = arith.constant 12288 : i32
    %mul3A_34 = arith.muli %select_n3A_32, %mul3A_33 : i32
    "tpu.region"() ({
      %run_scoped3A = tpu.sem_alloc : memref<!tpu.dma_semaphore, #tpu.memory_space<semaphore_mem>>
      %dma_start3A = tpu.memref_slice %arg2[%add3A_18, %mul3A_34] : memref<8x98304xf32, #tpu.memory_space<hbm>> -> memref<1x12288xf32, #tpu.memory_space<hbm>>
      %dma_start3A_138 = tpu.memref_squeeze %dma_start3A : memref<1x12288xf32, #tpu.memory_space<hbm>> -> memref<12288xf32, #tpu.memory_space<hbm>>
      %dma_start3A_139 = tpu.memref_slice %arg2[%add3A_18, %mul3A_34] : memref<8x98304xf32, #tpu.memory_space<hbm>> -> memref<1x12288xf32, #tpu.memory_space<hbm>>
      %dma_start3A_140 = tpu.memref_squeeze %dma_start3A_139 : memref<1x12288xf32, #tpu.memory_space<hbm>> -> memref<12288xf32, #tpu.memory_space<hbm>>
      tpu.enqueue_dma source(%dma_start3A_140 : memref<12288xf32, #tpu.memory_space<hbm>>) target(%arg5 : memref<12288xf32, #tpu.memory_space<vmem>>) target_semaphore(%run_scoped3A : memref<!tpu.dma_semaphore, #tpu.memory_space<semaphore_mem>>)
      %dma_wait3A = tpu.memref_slice %arg2[%add3A_18, %mul3A_34] : memref<8x98304xf32, #tpu.memory_space<hbm>> -> memref<1x12288xf32, #tpu.memory_space<hbm>>
      %dma_wait3A_141 = tpu.memref_squeeze %dma_wait3A : memref<1x12288xf32, #tpu.memory_space<hbm>> -> memref<12288xf32, #tpu.memory_space<hbm>>
      %dma_wait3A_142 = tpu.memref_slice %arg2[%add3A_18, %mul3A_34] : memref<8x98304xf32, #tpu.memory_space<hbm>> -> memref<1x12288xf32, #tpu.memory_space<hbm>>
      %dma_wait3A_143 = tpu.memref_squeeze %dma_wait3A_142 : memref<1x12288xf32, #tpu.memory_space<hbm>> -> memref<12288xf32, #tpu.memory_space<hbm>>
      tpu.wait_dma2 semaphore(%run_scoped3A : memref<!tpu.dma_semaphore, #tpu.memory_space<semaphore_mem>>) src(%dma_wait3A_143 : memref<12288xf32, #tpu.memory_space<hbm>>) dst(%arg5 : memref<12288xf32, #tpu.memory_space<vmem>>)
      tpu.yield
    }) : () -> ()
    %mul3A_35 = arith.constant 12288 : i32
    %mul3A_36 = arith.muli %select_n3A_32, %mul3A_35 : i32
    "tpu.region"() ({
      %run_scoped3A = tpu.sem_alloc : memref<!tpu.dma_semaphore, #tpu.memory_space<semaphore_mem>>
      %dma_start3A = tpu.memref_slice %arg3[%mul3A_36] : memref<98304xi32, #tpu.memory_space<hbm>> -> memref<12288xi32, #tpu.memory_space<hbm>>
      %dma_start3A_138 = tpu.memref_slice %arg3[%mul3A_36] : memref<98304xi32, #tpu.memory_space<hbm>> -> memref<12288xi32, #tpu.memory_space<hbm>>
      tpu.enqueue_dma source(%dma_start3A_138 : memref<12288xi32, #tpu.memory_space<hbm>>) target(%arg6 : memref<12288xi32, #tpu.memory_space<vmem>>) target_semaphore(%run_scoped3A : memref<!tpu.dma_semaphore, #tpu.memory_space<semaphore_mem>>)
      %dma_wait3A = tpu.memref_slice %arg3[%mul3A_36] : memref<98304xi32, #tpu.memory_space<hbm>> -> memref<12288xi32, #tpu.memory_space<hbm>>
      %dma_wait3A_139 = tpu.memref_slice %arg3[%mul3A_36] : memref<98304xi32, #tpu.memory_space<hbm>> -> memref<12288xi32, #tpu.memory_space<hbm>>
      tpu.wait_dma2 semaphore(%run_scoped3A : memref<!tpu.dma_semaphore, #tpu.memory_space<semaphore_mem>>) src(%dma_wait3A_139 : memref<12288xi32, #tpu.memory_space<hbm>>) dst(%arg6 : memref<12288xi32, #tpu.memory_space<vmem>>)
      tpu.yield
    }) : () -> ()
    %broadcast_in_dim3A = arith.constant 0.000000e+00 : f32
    %broadcast_in_dim3A_37 = vector.broadcast %broadcast_in_dim3A : f32 to vector<16xf32>
    %scan3A = arith.constant 0 : i32
    %scan3A_38 = arith.constant 768 : i32
    %scan3A_39 = arith.addi %scan3A, %scan3A_38 : i32
    %scan3A_40 = arith.constant 1 : i32
    %scan3A_41:24 = scf.for %scan3A_138 = %scan3A to %scan3A_39 step %scan3A_40 iter_args(%scan3A_139 = %broadcast_in_dim3A_37, %scan3A_140 = %broadcast_in_dim3A_37, %scan3A_141 = %broadcast_in_dim3A_37, %scan3A_142 = %broadcast_in_dim3A_37, %scan3A_143 = %broadcast_in_dim3A_37, %scan3A_144 = %broadcast_in_dim3A_37, %scan3A_145 = %broadcast_in_dim3A_37, %scan3A_146 = %broadcast_in_dim3A_37, %scan3A_147 = %broadcast_in_dim3A_37, %scan3A_148 = %broadcast_in_dim3A_37, %scan3A_149 = %broadcast_in_dim3A_37, %scan3A_150 = %broadcast_in_dim3A_37, %scan3A_151 = %broadcast_in_dim3A_37, %scan3A_152 = %broadcast_in_dim3A_37, %scan3A_153 = %broadcast_in_dim3A_37, %scan3A_154 = %broadcast_in_dim3A_37, %scan3A_155 = %broadcast_in_dim3A_37, %scan3A_156 = %broadcast_in_dim3A_37, %scan3A_157 = %broadcast_in_dim3A_37, %scan3A_158 = %broadcast_in_dim3A_37, %scan3A_159 = %broadcast_in_dim3A_37, %scan3A_160 = %broadcast_in_dim3A_37, %scan3A_161 = %broadcast_in_dim3A_37, %scan3A_162 = %broadcast_in_dim3A_37) -> (vector<16xf32>, vector<16xf32>, vector<16xf32>, vector<16xf32>, vector<16xf32>, vector<16xf32>, vector<16xf32>, vector<16xf32>, vector<16xf32>, vector<16xf32>, vector<16xf32>, vector<16xf32>, vector<16xf32>, vector<16xf32>, vector<16xf32>, vector<16xf32>, vector<16xf32>, vector<16xf32>, vector<16xf32>, vector<16xf32>, vector<16xf32>, vector<16xf32>, vector<16xf32>, vector<16xf32>)  : i32 {
      %mul3A_163 = arith.constant 16 : i32
      %mul3A_164 = arith.muli %scan3A_138, %mul3A_163 : i32
      %get3A = arith.index_cast %mul3A_164 : i32 to index
      %get3A_165 = tpu.vector_load %arg5[%get3A] {strides = array<i32>} : memref<12288xf32, #tpu.memory_space<vmem>>, vector<16xf32>,
      %get3A_166 = vector.shape_cast %get3A_165 : vector<16xf32> to vector<16xf32>
      %mul3A_167 = arith.constant 16 : i32
      %mul3A_168 = arith.muli %scan3A_138, %mul3A_167 : i32
      %get3A_169 = arith.index_cast %mul3A_168 : i32 to index
      %get3A_170 = tpu.vector_load %arg6[%get3A_169] {strides = array<i32>} : memref<12288xi32, #tpu.memory_space<vmem>>, vector<16xi32>,
      %get3A_171 = vector.shape_cast %get3A_170 : vector<16xi32> to vector<16xi32>
      %shift_right_logical3A = arith.constant 3 : i32
      %shift_right_logical3A_172 = vector.broadcast %shift_right_logical3A : i32 to vector<16xi32>
      %shift_right_logical3A_173 = arith.shrui %get3A_171, %shift_right_logical3A_172 : vector<16xi32>
      %and3A_174 = arith.constant 7 : i32
      %and3A_175 = vector.broadcast %and3A_174 : i32 to vector<16xi32>
      %and3A_176 = arith.andi %get3A_171, %and3A_175 : vector<16xi32>
      %eq3A_177 = arith.constant 0 : i32
      %eq3A_178 = vector.broadcast %eq3A_177 : i32 to vector<16xi32>
      %eq3A_179 = arith.cmpi eq, %shift_right_logical3A_173, %eq3A_178 : vector<16xi32>
      %jit3A_180 = arith.constant 0.000000e+00 : f32
      %broadcast_in_dim3A_181 = vector.broadcast %jit3A_180 : f32 to vector<16xf32>
      %select_n3A_182 = arith.select %eq3A_179, %get3A_166, %broadcast_in_dim3A_181 : vector<16xi1>, vector<16xf32>
      %add3A_183 = arith.addf %scan3A_139, %select_n3A_182 : vector<16xf32>
      %eq3A_184 = arith.constant 1 : i32
      %eq3A_185 = vector.broadcast %eq3A_184 : i32 to vector<16xi32>
      %eq3A_186 = arith.cmpi eq, %shift_right_logical3A_173, %eq3A_185 : vector<16xi32>
      %jit3A_187 = arith.constant 0.000000e+00 : f32
      %broadcast_in_dim3A_188 = vector.broadcast %jit3A_187 : f32 to vector<16xf32>
      %select_n3A_189 = arith.select %eq3A_186, %get3A_166, %broadcast_in_dim3A_188 : vector<16xi1>, vector<16xf32>
      %add3A_190 = arith.addf %scan3A_140, %select_n3A_189 : vector<16xf32>
      %eq3A_191 = arith.constant 2 : i32
      %eq3A_192 = vector.broadcast %eq3A_191 : i32 to vector<16xi32>
      %eq3A_193 = arith.cmpi eq, %shift_right_logical3A_173, %eq3A_192 : vector<16xi32>
      %jit3A_194 = arith.constant 0.000000e+00 : f32
      %broadcast_in_dim3A_195 = vector.broadcast %jit3A_194 : f32 to vector<16xf32>
      %select_n3A_196 = arith.select %eq3A_193, %get3A_166, %broadcast_in_dim3A_195 : vector<16xi1>, vector<16xf32>
      %add3A_197 = arith.addf %scan3A_141, %select_n3A_196 : vector<16xf32>
      %eq3A_198 = arith.constant 3 : i32
      %eq3A_199 = vector.broadcast %eq3A_198 : i32 to vector<16xi32>
      %eq3A_200 = arith.cmpi eq, %shift_right_logical3A_173, %eq3A_199 : vector<16xi32>
      %jit3A_201 = arith.constant 0.000000e+00 : f32
      %broadcast_in_dim3A_202 = vector.broadcast %jit3A_201 : f32 to vector<16xf32>
      %select_n3A_203 = arith.select %eq3A_200, %get3A_166, %broadcast_in_dim3A_202 : vector<16xi1>, vector<16xf32>
      %add3A_204 = arith.addf %scan3A_142, %select_n3A_203 : vector<16xf32>
      %eq3A_205 = arith.constant 4 : i32
      %eq3A_206 = vector.broadcast %eq3A_205 : i32 to vector<16xi32>
      %eq3A_207 = arith.cmpi eq, %shift_right_logical3A_173, %eq3A_206 : vector<16xi32>
      %jit3A_208 = arith.constant 0.000000e+00 : f32
      %broadcast_in_dim3A_209 = vector.broadcast %jit3A_208 : f32 to vector<16xf32>
      %select_n3A_210 = arith.select %eq3A_207, %get3A_166, %broadcast_in_dim3A_209 : vector<16xi1>, vector<16xf32>
      %add3A_211 = arith.addf %scan3A_143, %select_n3A_210 : vector<16xf32>
      %eq3A_212 = arith.constant 5 : i32
      %eq3A_213 = vector.broadcast %eq3A_212 : i32 to vector<16xi32>
      %eq3A_214 = arith.cmpi eq, %shift_right_logical3A_173, %eq3A_213 : vector<16xi32>
      %jit3A_215 = arith.constant 0.000000e+00 : f32
      %broadcast_in_dim3A_216 = vector.broadcast %jit3A_215 : f32 to vector<16xf32>
      %select_n3A_217 = arith.select %eq3A_214, %get3A_166, %broadcast_in_dim3A_216 : vector<16xi1>, vector<16xf32>
      %add3A_218 = arith.addf %scan3A_144, %select_n3A_217 : vector<16xf32>
      %eq3A_219 = arith.constant 6 : i32
      %eq3A_220 = vector.broadcast %eq3A_219 : i32 to vector<16xi32>
      %eq3A_221 = arith.cmpi eq, %shift_right_logical3A_173, %eq3A_220 : vector<16xi32>
      %jit3A_222 = arith.constant 0.000000e+00 : f32
      %broadcast_in_dim3A_223 = vector.broadcast %jit3A_222 : f32 to vector<16xf32>
      %select_n3A_224 = arith.select %eq3A_221, %get3A_166, %broadcast_in_dim3A_223 : vector<16xi1>, vector<16xf32>
      %add3A_225 = arith.addf %scan3A_145, %select_n3A_224 : vector<16xf32>
      %eq3A_226 = arith.constant 7 : i32
      %eq3A_227 = vector.broadcast %eq3A_226 : i32 to vector<16xi32>
      %eq3A_228 = arith.cmpi eq, %shift_right_logical3A_173, %eq3A_227 : vector<16xi32>
      %jit3A_229 = arith.constant 0.000000e+00 : f32
      %broadcast_in_dim3A_230 = vector.broadcast %jit3A_229 : f32 to vector<16xf32>
      %select_n3A_231 = arith.select %eq3A_228, %get3A_166, %broadcast_in_dim3A_230 : vector<16xi1>, vector<16xf32>
      %add3A_232 = arith.addf %scan3A_146, %select_n3A_231 : vector<16xf32>
      %eq3A_233 = arith.constant 8 : i32
      %eq3A_234 = vector.broadcast %eq3A_233 : i32 to vector<16xi32>
      %eq3A_235 = arith.cmpi eq, %shift_right_logical3A_173, %eq3A_234 : vector<16xi32>
      %jit3A_236 = arith.constant 0.000000e+00 : f32
      %broadcast_in_dim3A_237 = vector.broadcast %jit3A_236 : f32 to vector<16xf32>
      %select_n3A_238 = arith.select %eq3A_235, %get3A_166, %broadcast_in_dim3A_237 : vector<16xi1>, vector<16xf32>
      %add3A_239 = arith.addf %scan3A_147, %select_n3A_238 : vector<16xf32>
      %eq3A_240 = arith.constant 9 : i32
      %eq3A_241 = vector.broadcast %eq3A_240 : i32 to vector<16xi32>
      %eq3A_242 = arith.cmpi eq, %shift_right_logical3A_173, %eq3A_241 : vector<16xi32>
      %jit3A_243 = arith.constant 0.000000e+00 : f32
      %broadcast_in_dim3A_244 = vector.broadcast %jit3A_243 : f32 to vector<16xf32>
      %select_n3A_245 = arith.select %eq3A_242, %get3A_166, %broadcast_in_dim3A_244 : vector<16xi1>, vector<16xf32>
      %add3A_246 = arith.addf %scan3A_148, %select_n3A_245 : vector<16xf32>
      %eq3A_247 = arith.constant 10 : i32
      %eq3A_248 = vector.broadcast %eq3A_247 : i32 to vector<16xi32>
      %eq3A_249 = arith.cmpi eq, %shift_right_logical3A_173, %eq3A_248 : vector<16xi32>
      %jit3A_250 = arith.constant 0.000000e+00 : f32
      %broadcast_in_dim3A_251 = vector.broadcast %jit3A_250 : f32 to vector<16xf32>
      %select_n3A_252 = arith.select %eq3A_249, %get3A_166, %broadcast_in_dim3A_251 : vector<16xi1>, vector<16xf32>
      %add3A_253 = arith.addf %scan3A_149, %select_n3A_252 : vector<16xf32>
      %eq3A_254 = arith.constant 11 : i32
      %eq3A_255 = vector.broadcast %eq3A_254 : i32 to vector<16xi32>
      %eq3A_256 = arith.cmpi eq, %shift_right_logical3A_173, %eq3A_255 : vector<16xi32>
      %jit3A_257 = arith.constant 0.000000e+00 : f32
      %broadcast_in_dim3A_258 = vector.broadcast %jit3A_257 : f32 to vector<16xf32>
      %select_n3A_259 = arith.select %eq3A_256, %get3A_166, %broadcast_in_dim3A_258 : vector<16xi1>, vector<16xf32>
      %add3A_260 = arith.addf %scan3A_150, %select_n3A_259 : vector<16xf32>
      %eq3A_261 = arith.constant 12 : i32
      %eq3A_262 = vector.broadcast %eq3A_261 : i32 to vector<16xi32>
      %eq3A_263 = arith.cmpi eq, %shift_right_logical3A_173, %eq3A_262 : vector<16xi32>
      %jit3A_264 = arith.constant 0.000000e+00 : f32
      %broadcast_in_dim3A_265 = vector.broadcast %jit3A_264 : f32 to vector<16xf32>
      %select_n3A_266 = arith.select %eq3A_263, %get3A_166, %broadcast_in_dim3A_265 : vector<16xi1>, vector<16xf32>
      %add3A_267 = arith.addf %scan3A_151, %select_n3A_266 : vector<16xf32>
      %eq3A_268 = arith.constant 13 : i32
      %eq3A_269 = vector.broadcast %eq3A_268 : i32 to vector<16xi32>
      %eq3A_270 = arith.cmpi eq, %shift_right_logical3A_173, %eq3A_269 : vector<16xi32>
      %jit3A_271 = arith.constant 0.000000e+00 : f32
      %broadcast_in_dim3A_272 = vector.broadcast %jit3A_271 : f32 to vector<16xf32>
      %select_n3A_273 = arith.select %eq3A_270, %get3A_166, %broadcast_in_dim3A_272 : vector<16xi1>, vector<16xf32>
      %add3A_274 = arith.addf %scan3A_152, %select_n3A_273 : vector<16xf32>
      %eq3A_275 = arith.constant 14 : i32
      %eq3A_276 = vector.broadcast %eq3A_275 : i32 to vector<16xi32>
      %eq3A_277 = arith.cmpi eq, %shift_right_logical3A_173, %eq3A_276 : vector<16xi32>
      %jit3A_278 = arith.constant 0.000000e+00 : f32
      %broadcast_in_dim3A_279 = vector.broadcast %jit3A_278 : f32 to vector<16xf32>
      %select_n3A_280 = arith.select %eq3A_277, %get3A_166, %broadcast_in_dim3A_279 : vector<16xi1>, vector<16xf32>
      %add3A_281 = arith.addf %scan3A_153, %select_n3A_280 : vector<16xf32>
      %eq3A_282 = arith.constant 15 : i32
      %eq3A_283 = vector.broadcast %eq3A_282 : i32 to vector<16xi32>
      %eq3A_284 = arith.cmpi eq, %shift_right_logical3A_173, %eq3A_283 : vector<16xi32>
      %jit3A_285 = arith.constant 0.000000e+00 : f32
      %broadcast_in_dim3A_286 = vector.broadcast %jit3A_285 : f32 to vector<16xf32>
      %select_n3A_287 = arith.select %eq3A_284, %get3A_166, %broadcast_in_dim3A_286 : vector<16xi1>, vector<16xf32>
      %add3A_288 = arith.addf %scan3A_154, %select_n3A_287 : vector<16xf32>
      %eq3A_289 = arith.constant 0 : i32
      %eq3A_290 = vector.broadcast %eq3A_289 : i32 to vector<16xi32>
      %eq3A_291 = arith.cmpi eq, %and3A_176, %eq3A_290 : vector<16xi32>
      %jit3A_292 = arith.constant 0.000000e+00 : f32
      %broadcast_in_dim3A_293 = vector.broadcast %jit3A_292 : f32 to vector<16xf32>
      %select_n3A_294 = arith.select %eq3A_291, %get3A_166, %broadcast_in_dim3A_293 : vector<16xi1>, vector<16xf32>
      %add3A_295 = arith.addf %scan3A_155, %select_n3A_294 : vector<16xf32>
      %eq3A_296 = arith.constant 1 : i32
      %eq3A_297 = vector.broadcast %eq3A_296 : i32 to vector<16xi32>
      %eq3A_298 = arith.cmpi eq, %and3A_176, %eq3A_297 : vector<16xi32>
      %jit3A_299 = arith.constant 0.000000e+00 : f32
      %broadcast_in_dim3A_300 = vector.broadcast %jit3A_299 : f32 to vector<16xf32>
      %select_n3A_301 = arith.select %eq3A_298, %get3A_166, %broadcast_in_dim3A_300 : vector<16xi1>, vector<16xf32>
      %add3A_302 = arith.addf %scan3A_156, %select_n3A_301 : vector<16xf32>
      %eq3A_303 = arith.constant 2 : i32
      %eq3A_304 = vector.broadcast %eq3A_303 : i32 to vector<16xi32>
      %eq3A_305 = arith.cmpi eq, %and3A_176, %eq3A_304 : vector<16xi32>
      %jit3A_306 = arith.constant 0.000000e+00 : f32
      %broadcast_in_dim3A_307 = vector.broadcast %jit3A_306 : f32 to vector<16xf32>
      %select_n3A_308 = arith.select %eq3A_305, %get3A_166, %broadcast_in_dim3A_307 : vector<16xi1>, vector<16xf32>
      %add3A_309 = arith.addf %scan3A_157, %select_n3A_308 : vector<16xf32>
      %eq3A_310 = arith.constant 3 : i32
      %eq3A_311 = vector.broadcast %eq3A_310 : i32 to vector<16xi32>
      %eq3A_312 = arith.cmpi eq, %and3A_176, %eq3A_311 : vector<16xi32>
      %jit3A_313 = arith.constant 0.000000e+00 : f32
      %broadcast_in_dim3A_314 = vector.broadcast %jit3A_313 : f32 to vector<16xf32>
      %select_n3A_315 = arith.select %eq3A_312, %get3A_166, %broadcast_in_dim3A_314 : vector<16xi1>, vector<16xf32>
      %add3A_316 = arith.addf %scan3A_158, %select_n3A_315 : vector<16xf32>
      %eq3A_317 = arith.constant 4 : i32
      %eq3A_318 = vector.broadcast %eq3A_317 : i32 to vector<16xi32>
      %eq3A_319 = arith.cmpi eq, %and3A_176, %eq3A_318 : vector<16xi32>
      %jit3A_320 = arith.constant 0.000000e+00 : f32
      %broadcast_in_dim3A_321 = vector.broadcast %jit3A_320 : f32 to vector<16xf32>
      %select_n3A_322 = arith.select %eq3A_319, %get3A_166, %broadcast_in_dim3A_321 : vector<16xi1>, vector<16xf32>
      %add3A_323 = arith.addf %scan3A_159, %select_n3A_322 : vector<16xf32>
      %eq3A_324 = arith.constant 5 : i32
      %eq3A_325 = vector.broadcast %eq3A_324 : i32 to vector<16xi32>
      %eq3A_326 = arith.cmpi eq, %and3A_176, %eq3A_325 : vector<16xi32>
      %jit3A_327 = arith.constant 0.000000e+00 : f32
      %broadcast_in_dim3A_328 = vector.broadcast %jit3A_327 : f32 to vector<16xf32>
      %select_n3A_329 = arith.select %eq3A_326, %get3A_166, %broadcast_in_dim3A_328 : vector<16xi1>, vector<16xf32>
      %add3A_330 = arith.addf %scan3A_160, %select_n3A_329 : vector<16xf32>
      %eq3A_331 = arith.constant 6 : i32
      %eq3A_332 = vector.broadcast %eq3A_331 : i32 to vector<16xi32>
      %eq3A_333 = arith.cmpi eq, %and3A_176, %eq3A_332 : vector<16xi32>
      %jit3A_334 = arith.constant 0.000000e+00 : f32
      %broadcast_in_dim3A_335 = vector.broadcast %jit3A_334 : f32 to vector<16xf32>
      %select_n3A_336 = arith.select %eq3A_333, %get3A_166, %broadcast_in_dim3A_335 : vector<16xi1>, vector<16xf32>
      %add3A_337 = arith.addf %scan3A_161, %select_n3A_336 : vector<16xf32>
      %eq3A_338 = arith.constant 7 : i32
      %eq3A_339 = vector.broadcast %eq3A_338 : i32 to vector<16xi32>
      %eq3A_340 = arith.cmpi eq, %and3A_176, %eq3A_339 : vector<16xi32>
      %jit3A_341 = arith.constant 0.000000e+00 : f32
      %broadcast_in_dim3A_342 = vector.broadcast %jit3A_341 : f32 to vector<16xf32>
      %select_n3A_343 = arith.select %eq3A_340, %get3A_166, %broadcast_in_dim3A_342 : vector<16xi1>, vector<16xf32>
      %add3A_344 = arith.addf %scan3A_162, %select_n3A_343 : vector<16xf32>
      scf.yield %add3A_183, %add3A_190, %add3A_197, %add3A_204, %add3A_211, %add3A_218, %add3A_225, %add3A_232, %add3A_239, %add3A_246, %add3A_253, %add3A_260, %add3A_267, %add3A_274, %add3A_281, %add3A_288, %add3A_295, %add3A_302, %add3A_309, %add3A_316, %add3A_323, %add3A_330, %add3A_337, %add3A_344 : vector<16xf32>, vector<16xf32>, vector<16xf32>, vector<16xf32>, vector<16xf32>, vector<16xf32>, vector<16xf32>, vector<16xf32>, vector<16xf32>, vector<16xf32>, vector<16xf32>, vector<16xf32>, vector<16xf32>, vector<16xf32>, vector<16xf32>, vector<16xf32>, vector<16xf32>, vector<16xf32>, vector<16xf32>, vector<16xf32>, vector<16xf32>, vector<16xf32>, vector<16xf32>, vector<16xf32>
    }
    %scan3A_42 = arith.constant 768 : i32
    %swap3A = arith.constant 0 : index
    %swap3A_43 = tpu.vector_load %arg7[%swap3A] {strides = array<i32>} : memref<384xf32, #tpu.memory_space<vmem>>, vector<16xf32>,
    %swap3A_44 = vector.shape_cast %swap3A_43 : vector<16xf32> to vector<16xf32>
    %swap3A_45 = vector.shape_cast %scan3A_41#0 : vector<16xf32> to vector<16xf32>
    tpu.vector_store %arg7[%swap3A], %swap3A_45 {strides = array<i32>} : memref<384xf32, #tpu.memory_space<vmem>>, vector<16xf32>,
    %swap3A_46 = arith.constant 16 : index
    %swap3A_47 = tpu.vector_load %arg7[%swap3A_46] {strides = array<i32>} : memref<384xf32, #tpu.memory_space<vmem>>, vector<16xf32>,
    %swap3A_48 = vector.shape_cast %swap3A_47 : vector<16xf32> to vector<16xf32>
    %swap3A_49 = vector.shape_cast %scan3A_41#1 : vector<16xf32> to vector<16xf32>
    tpu.vector_store %arg7[%swap3A_46], %swap3A_49 {strides = array<i32>} : memref<384xf32, #tpu.memory_space<vmem>>, vector<16xf32>,
    %swap3A_50 = arith.constant 32 : index
    %swap3A_51 = tpu.vector_load %arg7[%swap3A_50] {strides = array<i32>} : memref<384xf32, #tpu.memory_space<vmem>>, vector<16xf32>,
    %swap3A_52 = vector.shape_cast %swap3A_51 : vector<16xf32> to vector<16xf32>
    %swap3A_53 = vector.shape_cast %scan3A_41#2 : vector<16xf32> to vector<16xf32>
    tpu.vector_store %arg7[%swap3A_50], %swap3A_53 {strides = array<i32>} : memref<384xf32, #tpu.memory_space<vmem>>, vector<16xf32>,
    %swap3A_54 = arith.constant 48 : index
    %swap3A_55 = tpu.vector_load %arg7[%swap3A_54] {strides = array<i32>} : memref<384xf32, #tpu.memory_space<vmem>>, vector<16xf32>,
    %swap3A_56 = vector.shape_cast %swap3A_55 : vector<16xf32> to vector<16xf32>
    %swap3A_57 = vector.shape_cast %scan3A_41#3 : vector<16xf32> to vector<16xf32>
    tpu.vector_store %arg7[%swap3A_54], %swap3A_57 {strides = array<i32>} : memref<384xf32, #tpu.memory_space<vmem>>, vector<16xf32>,
    %swap3A_58 = arith.constant 64 : index
    %swap3A_59 = tpu.vector_load %arg7[%swap3A_58] {strides = array<i32>} : memref<384xf32, #tpu.memory_space<vmem>>, vector<16xf32>,
    %swap3A_60 = vector.shape_cast %swap3A_59 : vector<16xf32> to vector<16xf32>
    %swap3A_61 = vector.shape_cast %scan3A_41#4 : vector<16xf32> to vector<16xf32>
    tpu.vector_store %arg7[%swap3A_58], %swap3A_61 {strides = array<i32>} : memref<384xf32, #tpu.memory_space<vmem>>, vector<16xf32>,
    %swap3A_62 = arith.constant 80 : index
    %swap3A_63 = tpu.vector_load %arg7[%swap3A_62] {strides = array<i32>} : memref<384xf32, #tpu.memory_space<vmem>>, vector<16xf32>,
    %swap3A_64 = vector.shape_cast %swap3A_63 : vector<16xf32> to vector<16xf32>
    %swap3A_65 = vector.shape_cast %scan3A_41#5 : vector<16xf32> to vector<16xf32>
    tpu.vector_store %arg7[%swap3A_62], %swap3A_65 {strides = array<i32>} : memref<384xf32, #tpu.memory_space<vmem>>, vector<16xf32>,
    %swap3A_66 = arith.constant 96 : index
    %swap3A_67 = tpu.vector_load %arg7[%swap3A_66] {strides = array<i32>} : memref<384xf32, #tpu.memory_space<vmem>>, vector<16xf32>,
    %swap3A_68 = vector.shape_cast %swap3A_67 : vector<16xf32> to vector<16xf32>
    %swap3A_69 = vector.shape_cast %scan3A_41#6 : vector<16xf32> to vector<16xf32>
    tpu.vector_store %arg7[%swap3A_66], %swap3A_69 {strides = array<i32>} : memref<384xf32, #tpu.memory_space<vmem>>, vector<16xf32>,
    %swap3A_70 = arith.constant 112 : index
    %swap3A_71 = tpu.vector_load %arg7[%swap3A_70] {strides = array<i32>} : memref<384xf32, #tpu.memory_space<vmem>>, vector<16xf32>,
    %swap3A_72 = vector.shape_cast %swap3A_71 : vector<16xf32> to vector<16xf32>
    %swap3A_73 = vector.shape_cast %scan3A_41#7 : vector<16xf32> to vector<16xf32>
    tpu.vector_store %arg7[%swap3A_70], %swap3A_73 {strides = array<i32>} : memref<384xf32, #tpu.memory_space<vmem>>, vector<16xf32>,
    %swap3A_74 = arith.constant 128 : index
    %swap3A_75 = tpu.vector_load %arg7[%swap3A_74] {strides = array<i32>} : memref<384xf32, #tpu.memory_space<vmem>>, vector<16xf32>,
    %swap3A_76 = vector.shape_cast %swap3A_75 : vector<16xf32> to vector<16xf32>
    %swap3A_77 = vector.shape_cast %scan3A_41#8 : vector<16xf32> to vector<16xf32>
    tpu.vector_store %arg7[%swap3A_74], %swap3A_77 {strides = array<i32>} : memref<384xf32, #tpu.memory_space<vmem>>, vector<16xf32>,
    %swap3A_78 = arith.constant 144 : index
    %swap3A_79 = tpu.vector_load %arg7[%swap3A_78] {strides = array<i32>} : memref<384xf32, #tpu.memory_space<vmem>>, vector<16xf32>,
    %swap3A_80 = vector.shape_cast %swap3A_79 : vector<16xf32> to vector<16xf32>
    %swap3A_81 = vector.shape_cast %scan3A_41#9 : vector<16xf32> to vector<16xf32>
    tpu.vector_store %arg7[%swap3A_78], %swap3A_81 {strides = array<i32>} : memref<384xf32, #tpu.memory_space<vmem>>, vector<16xf32>,
    %swap3A_82 = arith.constant 160 : index
    %swap3A_83 = tpu.vector_load %arg7[%swap3A_82] {strides = array<i32>} : memref<384xf32, #tpu.memory_space<vmem>>, vector<16xf32>,
    %swap3A_84 = vector.shape_cast %swap3A_83 : vector<16xf32> to vector<16xf32>
    %swap3A_85 = vector.shape_cast %scan3A_41#10 : vector<16xf32> to vector<16xf32>
    tpu.vector_store %arg7[%swap3A_82], %swap3A_85 {strides = array<i32>} : memref<384xf32, #tpu.memory_space<vmem>>, vector<16xf32>,
    %swap3A_86 = arith.constant 176 : index
    %swap3A_87 = tpu.vector_load %arg7[%swap3A_86] {strides = array<i32>} : memref<384xf32, #tpu.memory_space<vmem>>, vector<16xf32>,
    %swap3A_88 = vector.shape_cast %swap3A_87 : vector<16xf32> to vector<16xf32>
    %swap3A_89 = vector.shape_cast %scan3A_41#11 : vector<16xf32> to vector<16xf32>
    tpu.vector_store %arg7[%swap3A_86], %swap3A_89 {strides = array<i32>} : memref<384xf32, #tpu.memory_space<vmem>>, vector<16xf32>,
    %swap3A_90 = arith.constant 192 : index
    %swap3A_91 = tpu.vector_load %arg7[%swap3A_90] {strides = array<i32>} : memref<384xf32, #tpu.memory_space<vmem>>, vector<16xf32>,
    %swap3A_92 = vector.shape_cast %swap3A_91 : vector<16xf32> to vector<16xf32>
    %swap3A_93 = vector.shape_cast %scan3A_41#12 : vector<16xf32> to vector<16xf32>
    tpu.vector_store %arg7[%swap3A_90], %swap3A_93 {strides = array<i32>} : memref<384xf32, #tpu.memory_space<vmem>>, vector<16xf32>,
    %swap3A_94 = arith.constant 208 : index
    %swap3A_95 = tpu.vector_load %arg7[%swap3A_94] {strides = array<i32>} : memref<384xf32, #tpu.memory_space<vmem>>, vector<16xf32>,
    %swap3A_96 = vector.shape_cast %swap3A_95 : vector<16xf32> to vector<16xf32>
    %swap3A_97 = vector.shape_cast %scan3A_41#13 : vector<16xf32> to vector<16xf32>
    tpu.vector_store %arg7[%swap3A_94], %swap3A_97 {strides = array<i32>} : memref<384xf32, #tpu.memory_space<vmem>>, vector<16xf32>,
    %swap3A_98 = arith.constant 224 : index
    %swap3A_99 = tpu.vector_load %arg7[%swap3A_98] {strides = array<i32>} : memref<384xf32, #tpu.memory_space<vmem>>, vector<16xf32>,
    %swap3A_100 = vector.shape_cast %swap3A_99 : vector<16xf32> to vector<16xf32>
    %swap3A_101 = vector.shape_cast %scan3A_41#14 : vector<16xf32> to vector<16xf32>
    tpu.vector_store %arg7[%swap3A_98], %swap3A_101 {strides = array<i32>} : memref<384xf32, #tpu.memory_space<vmem>>, vector<16xf32>,
    %swap3A_102 = arith.constant 240 : index
    %swap3A_103 = tpu.vector_load %arg7[%swap3A_102] {strides = array<i32>} : memref<384xf32, #tpu.memory_space<vmem>>, vector<16xf32>,
    %swap3A_104 = vector.shape_cast %swap3A_103 : vector<16xf32> to vector<16xf32>
    %swap3A_105 = vector.shape_cast %scan3A_41#15 : vector<16xf32> to vector<16xf32>
    tpu.vector_store %arg7[%swap3A_102], %swap3A_105 {strides = array<i32>} : memref<384xf32, #tpu.memory_space<vmem>>, vector<16xf32>,
    %swap3A_106 = arith.constant 256 : index
    %swap3A_107 = tpu.vector_load %arg7[%swap3A_106] {strides = array<i32>} : memref<384xf32, #tpu.memory_space<vmem>>, vector<16xf32>,
    %swap3A_108 = vector.shape_cast %swap3A_107 : vector<16xf32> to vector<16xf32>
    %swap3A_109 = vector.shape_cast %scan3A_41#16 : vector<16xf32> to vector<16xf32>
    tpu.vector_store %arg7[%swap3A_106], %swap3A_109 {strides = array<i32>} : memref<384xf32, #tpu.memory_space<vmem>>, vector<16xf32>,
    %swap3A_110 = arith.constant 272 : index
    %swap3A_111 = tpu.vector_load %arg7[%swap3A_110] {strides = array<i32>} : memref<384xf32, #tpu.memory_space<vmem>>, vector<16xf32>,
    %swap3A_112 = vector.shape_cast %swap3A_111 : vector<16xf32> to vector<16xf32>
    %swap3A_113 = vector.shape_cast %scan3A_41#17 : vector<16xf32> to vector<16xf32>
    tpu.vector_store %arg7[%swap3A_110], %swap3A_113 {strides = array<i32>} : memref<384xf32, #tpu.memory_space<vmem>>, vector<16xf32>,
    %swap3A_114 = arith.constant 288 : index
    %swap3A_115 = tpu.vector_load %arg7[%swap3A_114] {strides = array<i32>} : memref<384xf32, #tpu.memory_space<vmem>>, vector<16xf32>,
    %swap3A_116 = vector.shape_cast %swap3A_115 : vector<16xf32> to vector<16xf32>
    %swap3A_117 = vector.shape_cast %scan3A_41#18 : vector<16xf32> to vector<16xf32>
    tpu.vector_store %arg7[%swap3A_114], %swap3A_117 {strides = array<i32>} : memref<384xf32, #tpu.memory_space<vmem>>, vector<16xf32>,
    %swap3A_118 = arith.constant 304 : index
    %swap3A_119 = tpu.vector_load %arg7[%swap3A_118] {strides = array<i32>} : memref<384xf32, #tpu.memory_space<vmem>>, vector<16xf32>,
    %swap3A_120 = vector.shape_cast %swap3A_119 : vector<16xf32> to vector<16xf32>
    %swap3A_121 = vector.shape_cast %scan3A_41#19 : vector<16xf32> to vector<16xf32>
    tpu.vector_store %arg7[%swap3A_118], %swap3A_121 {strides = array<i32>} : memref<384xf32, #tpu.memory_space<vmem>>, vector<16xf32>,
    %swap3A_122 = arith.constant 320 : index
    %swap3A_123 = tpu.vector_load %arg7[%swap3A_122] {strides = array<i32>} : memref<384xf32, #tpu.memory_space<vmem>>, vector<16xf32>,
    %swap3A_124 = vector.shape_cast %swap3A_123 : vector<16xf32> to vector<16xf32>
    %swap3A_125 = vector.shape_cast %scan3A_41#20 : vector<16xf32> to vector<16xf32>
    tpu.vector_store %arg7[%swap3A_122], %swap3A_125 {strides = array<i32>} : memref<384xf32, #tpu.memory_space<vmem>>, vector<16xf32>,
    %swap3A_126 = arith.constant 336 : index
    %swap3A_127 = tpu.vector_load %arg7[%swap3A_126] {strides = array<i32>} : memref<384xf32, #tpu.memory_space<vmem>>, vector<16xf32>,
    %swap3A_128 = vector.shape_cast %swap3A_127 : vector<16xf32> to vector<16xf32>
    %swap3A_129 = vector.shape_cast %scan3A_41#21 : vector<16xf32> to vector<16xf32>
    tpu.vector_store %arg7[%swap3A_126], %swap3A_129 {strides = array<i32>} : memref<384xf32, #tpu.memory_space<vmem>>, vector<16xf32>,
    %swap3A_130 = arith.constant 352 : index
    %swap3A_131 = tpu.vector_load %arg7[%swap3A_130] {strides = array<i32>} : memref<384xf32, #tpu.memory_space<vmem>>, vector<16xf32>,
    %swap3A_132 = vector.shape_cast %swap3A_131 : vector<16xf32> to vector<16xf32>
    %swap3A_133 = vector.shape_cast %scan3A_41#22 : vector<16xf32> to vector<16xf32>
    tpu.vector_store %arg7[%swap3A_130], %swap3A_133 {strides = array<i32>} : memref<384xf32, #tpu.memory_space<vmem>>, vector<16xf32>,
    %swap3A_134 = arith.constant 368 : index
    %swap3A_135 = tpu.vector_load %arg7[%swap3A_134] {strides = array<i32>} : memref<384xf32, #tpu.memory_space<vmem>>, vector<16xf32>,
    %swap3A_136 = vector.shape_cast %swap3A_135 : vector<16xf32> to vector<16xf32>
    %swap3A_137 = vector.shape_cast %scan3A_41#23 : vector<16xf32> to vector<16xf32>
    tpu.vector_store %arg7[%swap3A_134], %swap3A_137 {strides = array<i32>} : memref<384xf32, #tpu.memory_space<vmem>>, vector<16xf32>,
    "tpu.region"() ({
      %run_scoped3A = tpu.sem_alloc : memref<!tpu.dma_semaphore, #tpu.memory_space<semaphore_mem>>
      %dma_start3A = arith.constant 0 : i32
      %dma_start3A_138 = tpu.memref_slice %arg4[%add3A, %dma_start3A] : memref<32x384xf32, #tpu.memory_space<hbm>> -> memref<1x384xf32, #tpu.memory_space<hbm>>
      %dma_start3A_139 = tpu.memref_squeeze %dma_start3A_138 : memref<1x384xf32, #tpu.memory_space<hbm>> -> memref<384xf32, #tpu.memory_space<hbm>>
      %dma_start3A_140 = arith.constant 0 : i32
      %dma_start3A_141 = tpu.memref_slice %arg4[%add3A, %dma_start3A_140] : memref<32x384xf32, #tpu.memory_space<hbm>> -> memref<1x384xf32, #tpu.memory_space<hbm>>
      %dma_start3A_142 = tpu.memref_squeeze %dma_start3A_141 : memref<1x384xf32, #tpu.memory_space<hbm>> -> memref<384xf32, #tpu.memory_space<hbm>>
      tpu.enqueue_dma source(%arg7 : memref<384xf32, #tpu.memory_space<vmem>>) target(%dma_start3A_142 : memref<384xf32, #tpu.memory_space<hbm>>) target_semaphore(%run_scoped3A : memref<!tpu.dma_semaphore, #tpu.memory_space<semaphore_mem>>)
      %dma_wait3A = arith.constant 0 : i32
      %dma_wait3A_143 = tpu.memref_slice %arg4[%add3A, %dma_wait3A] : memref<32x384xf32, #tpu.memory_space<hbm>> -> memref<1x384xf32, #tpu.memory_space<hbm>>
      %dma_wait3A_144 = tpu.memref_squeeze %dma_wait3A_143 : memref<1x384xf32, #tpu.memory_space<hbm>> -> memref<384xf32, #tpu.memory_space<hbm>>
      %dma_wait3A_145 = arith.constant 0 : i32
      %dma_wait3A_146 = tpu.memref_slice %arg4[%add3A, %dma_wait3A_145] : memref<32x384xf32, #tpu.memory_space<hbm>> -> memref<1x384xf32, #tpu.memory_space<hbm>>
      %dma_wait3A_147 = tpu.memref_squeeze %dma_wait3A_146 : memref<1x384xf32, #tpu.memory_space<hbm>> -> memref<384xf32, #tpu.memory_space<hbm>>
      tpu.wait_dma2 semaphore(%run_scoped3A : memref<!tpu.dma_semaphore, #tpu.memory_space<semaphore_mem>>) src(%arg7 : memref<384xf32, #tpu.memory_space<vmem>>) dst(%dma_wait3A_147 : memref<384xf32, #tpu.memory_space<hbm>>)
      tpu.yield
    }) : () -> ()
    return
  }
}

module attributes {stable_mosaic.version = 14 : i64} {
  func.func @_spec_kernel(%arg0: i32, %arg1: i32, %arg2: memref<1x4x384x384xf32, #tpu.memory_space<vmem>>, %arg3: memref<1x4x384x384xf32, #tpu.memory_space<vmem>>, %arg4: memref<384x512xbf16, #tpu.memory_space<vmem>>, %arg5: memref<192x192xbf16, #tpu.memory_space<vmem>>, %arg6: memref<192x192xbf16, #tpu.memory_space<vmem>>, %arg7: memref<192x192xbf16, #tpu.memory_space<vmem>>, %arg8: memref<192x192xbf16, #tpu.memory_space<vmem>>, %arg9: memref<192x192xbf16, #tpu.memory_space<vmem>>, %arg10: memref<192x192xbf16, #tpu.memory_space<vmem>>, %arg11: memref<1x384x256xf32, #tpu.memory_space<vmem>>) attributes {dimension_semantics = [#tpu.dimension_semantics<parallel>, #tpu.dimension_semantics<arbitrary>], iteration_bounds = array<i64: 8, 12>, scalar_prefetch = 0 : i64, scratch_operands = 0 : i64, tpu.core_type = #tpu.core_type<tc>, window_params = [{transform_indices = @transform_0, window_bounds = array<i64: 1, 4, 384, 384>}, {transform_indices = @transform_1, window_bounds = array<i64: 1, 4, 384, 384>}, {pipeline_mode = #tpu.pipeline_mode<synchronous>, transform_indices = @transform_2, window_bounds = array<i64: 384, 512>}, {pipeline_mode = #tpu.pipeline_mode<synchronous>, transform_indices = @transform_3, window_bounds = array<i64: 192, 192>}, {pipeline_mode = #tpu.pipeline_mode<synchronous>, transform_indices = @transform_4, window_bounds = array<i64: 192, 192>}, {pipeline_mode = #tpu.pipeline_mode<synchronous>, transform_indices = @transform_5, window_bounds = array<i64: 192, 192>}, {pipeline_mode = #tpu.pipeline_mode<synchronous>, transform_indices = @transform_6, window_bounds = array<i64: 192, 192>}, {pipeline_mode = #tpu.pipeline_mode<synchronous>, transform_indices = @transform_7, window_bounds = array<i64: 192, 192>}, {pipeline_mode = #tpu.pipeline_mode<synchronous>, transform_indices = @transform_8, window_bounds = array<i64: 192, 192>}, {transform_indices = @transform_9, window_bounds = array<i64: 1, 384, 256>}]} {
    %get3A = arith.constant 0 : index
    %get3A_0 = arith.constant 0 : index
    %get3A_1 = arith.constant 0 : index
    %get3A_2 = arith.constant 0 : index
    %get3A_3 = vector.load %arg2[%get3A, %get3A_0, %get3A_1, %get3A_2] : memref<1x4x384x384xf32, #tpu.memory_space<vmem>>, vector<1x1x384x384xf32>
    %get3A_4 = vector.shape_cast %get3A_3 : vector<1x1x384x384xf32> to vector<384x384xf32>
    %convert_element_type3A = arith.truncf %get3A_4 : vector<384x384xf32> to vector<384x384xbf16>
    %get3A_5 = arith.constant 0 : index
    %get3A_6 = arith.constant 0 : index
    %get3A_7 = vector.load %arg4[%get3A_5, %get3A_6] : memref<384x512xbf16, #tpu.memory_space<vmem>>, vector<384x512xbf16>
    %dot_general3A = arith.constant dense<0.000000e+00> : vector<384x512xf32>
    %dot_general3A_8 = tpu.matmul %convert_element_type3A, %get3A_7, %dot_general3A {dimension_numbers = #tpu.dot_dimension_numbers<[1], [0], [0], [1], [0, 0, 1, 1], [], []>, transpose_lhs_hint = false} : vector<384x384xbf16>, vector<384x512xbf16>, vector<384x512xf32> -> vector<384x512xf32>
    %convert_element_type3A_9 = arith.truncf %dot_general3A_8 : vector<384x512xf32> to vector<384x512xbf16>
    %slice3A = vector.extract_strided_slice %convert_element_type3A_9 {offsets = [0, 0], sizes = [192, 256], strides = [1, 1]} : vector<384x512xbf16> to vector<192x256xbf16>
    %slice3A_10 = vector.extract_strided_slice %convert_element_type3A_9 {offsets = [192, 0], sizes = [192, 256], strides = [1, 1]} : vector<384x512xbf16> to vector<192x256xbf16>
    %add3A = arith.addf %slice3A, %slice3A_10 : vector<192x256xbf16>
    %slice3A_11 = vector.extract_strided_slice %convert_element_type3A_9 {offsets = [0, 256], sizes = [192, 256], strides = [1, 1]} : vector<384x512xbf16> to vector<192x256xbf16>
    %slice3A_12 = vector.extract_strided_slice %convert_element_type3A_9 {offsets = [192, 256], sizes = [192, 256], strides = [1, 1]} : vector<384x512xbf16> to vector<192x256xbf16>
    %add3A_13 = arith.addf %slice3A_11, %slice3A_12 : vector<192x256xbf16>
    %slice3A_14 = vector.extract_strided_slice %convert_element_type3A_9 {offsets = [0, 0], sizes = [192, 256], strides = [1, 1]} : vector<384x512xbf16> to vector<192x256xbf16>
    %slice3A_15 = vector.extract_strided_slice %convert_element_type3A_9 {offsets = [192, 0], sizes = [192, 256], strides = [1, 1]} : vector<384x512xbf16> to vector<192x256xbf16>
    %sub3A = arith.subf %slice3A_14, %slice3A_15 : vector<192x256xbf16>
    %slice3A_16 = vector.extract_strided_slice %convert_element_type3A_9 {offsets = [0, 256], sizes = [192, 256], strides = [1, 1]} : vector<384x512xbf16> to vector<192x256xbf16>
    %slice3A_17 = vector.extract_strided_slice %convert_element_type3A_9 {offsets = [192, 256], sizes = [192, 256], strides = [1, 1]} : vector<384x512xbf16> to vector<192x256xbf16>
    %sub3A_18 = arith.subf %slice3A_16, %slice3A_17 : vector<192x256xbf16>
    %add3A_19 = arith.addf %add3A, %add3A_13 : vector<192x256xbf16>
    %add3A_20 = arith.addf %sub3A, %sub3A_18 : vector<192x256xbf16>
    %get3A_21 = arith.constant 0 : index
    %get3A_22 = arith.constant 1 : index
    %get3A_23 = arith.constant 0 : index
    %get3A_24 = arith.constant 0 : index
    %get3A_25 = vector.load %arg2[%get3A_21, %get3A_22, %get3A_23, %get3A_24] : memref<1x4x384x384xf32, #tpu.memory_space<vmem>>, vector<1x1x384x384xf32>
    %get3A_26 = vector.shape_cast %get3A_25 : vector<1x1x384x384xf32> to vector<384x384xf32>
    %convert_element_type3A_27 = arith.truncf %get3A_26 : vector<384x384xf32> to vector<384x384xbf16>
    %get3A_28 = arith.constant 0 : index
    %get3A_29 = arith.constant 0 : index
    %get3A_30 = vector.load %arg4[%get3A_28, %get3A_29] : memref<384x512xbf16, #tpu.memory_space<vmem>>, vector<384x512xbf16>
    %dot_general3A_31 = arith.constant dense<0.000000e+00> : vector<384x512xf32>
    %dot_general3A_32 = tpu.matmul %convert_element_type3A_27, %get3A_30, %dot_general3A_31 {dimension_numbers = #tpu.dot_dimension_numbers<[1], [0], [0], [1], [0, 0, 1, 1], [], []>, transpose_lhs_hint = false} : vector<384x384xbf16>, vector<384x512xbf16>, vector<384x512xf32> -> vector<384x512xf32>
    %convert_element_type3A_33 = arith.truncf %dot_general3A_32 : vector<384x512xf32> to vector<384x512xbf16>
    %slice3A_34 = vector.extract_strided_slice %convert_element_type3A_33 {offsets = [0, 0], sizes = [192, 256], strides = [1, 1]} : vector<384x512xbf16> to vector<192x256xbf16>
    %slice3A_35 = vector.extract_strided_slice %convert_element_type3A_33 {offsets = [192, 0], sizes = [192, 256], strides = [1, 1]} : vector<384x512xbf16> to vector<192x256xbf16>
    %add3A_36 = arith.addf %slice3A_34, %slice3A_35 : vector<192x256xbf16>
    %slice3A_37 = vector.extract_strided_slice %convert_element_type3A_33 {offsets = [0, 256], sizes = [192, 256], strides = [1, 1]} : vector<384x512xbf16> to vector<192x256xbf16>
    %slice3A_38 = vector.extract_strided_slice %convert_element_type3A_33 {offsets = [192, 256], sizes = [192, 256], strides = [1, 1]} : vector<384x512xbf16> to vector<192x256xbf16>
    %add3A_39 = arith.addf %slice3A_37, %slice3A_38 : vector<192x256xbf16>
    %slice3A_40 = vector.extract_strided_slice %convert_element_type3A_33 {offsets = [0, 0], sizes = [192, 256], strides = [1, 1]} : vector<384x512xbf16> to vector<192x256xbf16>
    %slice3A_41 = vector.extract_strided_slice %convert_element_type3A_33 {offsets = [192, 0], sizes = [192, 256], strides = [1, 1]} : vector<384x512xbf16> to vector<192x256xbf16>
    %sub3A_42 = arith.subf %slice3A_40, %slice3A_41 : vector<192x256xbf16>
    %slice3A_43 = vector.extract_strided_slice %convert_element_type3A_33 {offsets = [0, 256], sizes = [192, 256], strides = [1, 1]} : vector<384x512xbf16> to vector<192x256xbf16>
    %slice3A_44 = vector.extract_strided_slice %convert_element_type3A_33 {offsets = [192, 256], sizes = [192, 256], strides = [1, 1]} : vector<384x512xbf16> to vector<192x256xbf16>
    %sub3A_45 = arith.subf %slice3A_43, %slice3A_44 : vector<192x256xbf16>
    %add3A_46 = arith.addf %add3A_36, %add3A_39 : vector<192x256xbf16>
    %add3A_47 = arith.addf %sub3A_42, %sub3A_45 : vector<192x256xbf16>
    %get3A_48 = arith.constant 0 : index
    %get3A_49 = arith.constant 2 : index
    %get3A_50 = arith.constant 0 : index
    %get3A_51 = arith.constant 0 : index
    %get3A_52 = vector.load %arg2[%get3A_48, %get3A_49, %get3A_50, %get3A_51] : memref<1x4x384x384xf32, #tpu.memory_space<vmem>>, vector<1x1x384x384xf32>
    %get3A_53 = vector.shape_cast %get3A_52 : vector<1x1x384x384xf32> to vector<384x384xf32>
    %convert_element_type3A_54 = arith.truncf %get3A_53 : vector<384x384xf32> to vector<384x384xbf16>
    %get3A_55 = arith.constant 0 : index
    %get3A_56 = arith.constant 0 : index
    %get3A_57 = vector.load %arg4[%get3A_55, %get3A_56] : memref<384x512xbf16, #tpu.memory_space<vmem>>, vector<384x512xbf16>
    %dot_general3A_58 = arith.constant dense<0.000000e+00> : vector<384x512xf32>
    %dot_general3A_59 = tpu.matmul %convert_element_type3A_54, %get3A_57, %dot_general3A_58 {dimension_numbers = #tpu.dot_dimension_numbers<[1], [0], [0], [1], [0, 0, 1, 1], [], []>, transpose_lhs_hint = false} : vector<384x384xbf16>, vector<384x512xbf16>, vector<384x512xf32> -> vector<384x512xf32>
    %convert_element_type3A_60 = arith.truncf %dot_general3A_59 : vector<384x512xf32> to vector<384x512xbf16>
    %slice3A_61 = vector.extract_strided_slice %convert_element_type3A_60 {offsets = [0, 0], sizes = [192, 256], strides = [1, 1]} : vector<384x512xbf16> to vector<192x256xbf16>
    %slice3A_62 = vector.extract_strided_slice %convert_element_type3A_60 {offsets = [192, 0], sizes = [192, 256], strides = [1, 1]} : vector<384x512xbf16> to vector<192x256xbf16>
    %add3A_63 = arith.addf %slice3A_61, %slice3A_62 : vector<192x256xbf16>
    %slice3A_64 = vector.extract_strided_slice %convert_element_type3A_60 {offsets = [0, 256], sizes = [192, 256], strides = [1, 1]} : vector<384x512xbf16> to vector<192x256xbf16>
    %slice3A_65 = vector.extract_strided_slice %convert_element_type3A_60 {offsets = [192, 256], sizes = [192, 256], strides = [1, 1]} : vector<384x512xbf16> to vector<192x256xbf16>
    %add3A_66 = arith.addf %slice3A_64, %slice3A_65 : vector<192x256xbf16>
    %slice3A_67 = vector.extract_strided_slice %convert_element_type3A_60 {offsets = [0, 0], sizes = [192, 256], strides = [1, 1]} : vector<384x512xbf16> to vector<192x256xbf16>
    %slice3A_68 = vector.extract_strided_slice %convert_element_type3A_60 {offsets = [192, 0], sizes = [192, 256], strides = [1, 1]} : vector<384x512xbf16> to vector<192x256xbf16>
    %sub3A_69 = arith.subf %slice3A_67, %slice3A_68 : vector<192x256xbf16>
    %slice3A_70 = vector.extract_strided_slice %convert_element_type3A_60 {offsets = [0, 256], sizes = [192, 256], strides = [1, 1]} : vector<384x512xbf16> to vector<192x256xbf16>
    %slice3A_71 = vector.extract_strided_slice %convert_element_type3A_60 {offsets = [192, 256], sizes = [192, 256], strides = [1, 1]} : vector<384x512xbf16> to vector<192x256xbf16>
    %sub3A_72 = arith.subf %slice3A_70, %slice3A_71 : vector<192x256xbf16>
    %add3A_73 = arith.addf %add3A_63, %add3A_66 : vector<192x256xbf16>
    %add3A_74 = arith.addf %sub3A_69, %sub3A_72 : vector<192x256xbf16>
    %get3A_75 = arith.constant 0 : index
    %get3A_76 = arith.constant 3 : index
    %get3A_77 = arith.constant 0 : index
    %get3A_78 = arith.constant 0 : index
    %get3A_79 = vector.load %arg2[%get3A_75, %get3A_76, %get3A_77, %get3A_78] : memref<1x4x384x384xf32, #tpu.memory_space<vmem>>, vector<1x1x384x384xf32>
    %get3A_80 = vector.shape_cast %get3A_79 : vector<1x1x384x384xf32> to vector<384x384xf32>
    %convert_element_type3A_81 = arith.truncf %get3A_80 : vector<384x384xf32> to vector<384x384xbf16>
    %get3A_82 = arith.constant 0 : index
    %get3A_83 = arith.constant 0 : index
    %get3A_84 = vector.load %arg4[%get3A_82, %get3A_83] : memref<384x512xbf16, #tpu.memory_space<vmem>>, vector<384x512xbf16>
    %dot_general3A_85 = arith.constant dense<0.000000e+00> : vector<384x512xf32>
    %dot_general3A_86 = tpu.matmul %convert_element_type3A_81, %get3A_84, %dot_general3A_85 {dimension_numbers = #tpu.dot_dimension_numbers<[1], [0], [0], [1], [0, 0, 1, 1], [], []>, transpose_lhs_hint = false} : vector<384x384xbf16>, vector<384x512xbf16>, vector<384x512xf32> -> vector<384x512xf32>
    %convert_element_type3A_87 = arith.truncf %dot_general3A_86 : vector<384x512xf32> to vector<384x512xbf16>
    %slice3A_88 = vector.extract_strided_slice %convert_element_type3A_87 {offsets = [0, 0], sizes = [192, 256], strides = [1, 1]} : vector<384x512xbf16> to vector<192x256xbf16>
    %slice3A_89 = vector.extract_strided_slice %convert_element_type3A_87 {offsets = [192, 0], sizes = [192, 256], strides = [1, 1]} : vector<384x512xbf16> to vector<192x256xbf16>
    %add3A_90 = arith.addf %slice3A_88, %slice3A_89 : vector<192x256xbf16>
    %slice3A_91 = vector.extract_strided_slice %convert_element_type3A_87 {offsets = [0, 256], sizes = [192, 256], strides = [1, 1]} : vector<384x512xbf16> to vector<192x256xbf16>
    %slice3A_92 = vector.extract_strided_slice %convert_element_type3A_87 {offsets = [192, 256], sizes = [192, 256], strides = [1, 1]} : vector<384x512xbf16> to vector<192x256xbf16>
    %add3A_93 = arith.addf %slice3A_91, %slice3A_92 : vector<192x256xbf16>
    %slice3A_94 = vector.extract_strided_slice %convert_element_type3A_87 {offsets = [0, 0], sizes = [192, 256], strides = [1, 1]} : vector<384x512xbf16> to vector<192x256xbf16>
    %slice3A_95 = vector.extract_strided_slice %convert_element_type3A_87 {offsets = [192, 0], sizes = [192, 256], strides = [1, 1]} : vector<384x512xbf16> to vector<192x256xbf16>
    %sub3A_96 = arith.subf %slice3A_94, %slice3A_95 : vector<192x256xbf16>
    %slice3A_97 = vector.extract_strided_slice %convert_element_type3A_87 {offsets = [0, 256], sizes = [192, 256], strides = [1, 1]} : vector<384x512xbf16> to vector<192x256xbf16>
    %slice3A_98 = vector.extract_strided_slice %convert_element_type3A_87 {offsets = [192, 256], sizes = [192, 256], strides = [1, 1]} : vector<384x512xbf16> to vector<192x256xbf16>
    %sub3A_99 = arith.subf %slice3A_97, %slice3A_98 : vector<192x256xbf16>
    %add3A_100 = arith.addf %add3A_90, %add3A_93 : vector<192x256xbf16>
    %add3A_101 = arith.addf %sub3A_96, %sub3A_99 : vector<192x256xbf16>
    %get3A_102 = arith.constant 0 : index
    %get3A_103 = arith.constant 0 : index
    %get3A_104 = arith.constant 0 : index
    %get3A_105 = arith.constant 0 : index
    %get3A_106 = vector.load %arg3[%get3A_102, %get3A_103, %get3A_104, %get3A_105] : memref<1x4x384x384xf32, #tpu.memory_space<vmem>>, vector<1x1x384x384xf32>
    %get3A_107 = vector.shape_cast %get3A_106 : vector<1x1x384x384xf32> to vector<384x384xf32>
    %convert_element_type3A_108 = arith.truncf %get3A_107 : vector<384x384xf32> to vector<384x384xbf16>
    %get3A_109 = arith.constant 0 : index
    %get3A_110 = arith.constant 0 : index
    %get3A_111 = vector.load %arg4[%get3A_109, %get3A_110] : memref<384x512xbf16, #tpu.memory_space<vmem>>, vector<384x512xbf16>
    %dot_general3A_112 = arith.constant dense<0.000000e+00> : vector<384x512xf32>
    %dot_general3A_113 = tpu.matmul %convert_element_type3A_108, %get3A_111, %dot_general3A_112 {dimension_numbers = #tpu.dot_dimension_numbers<[1], [0], [0], [1], [0, 0, 1, 1], [], []>, transpose_lhs_hint = false} : vector<384x384xbf16>, vector<384x512xbf16>, vector<384x512xf32> -> vector<384x512xf32>
    %convert_element_type3A_114 = arith.truncf %dot_general3A_113 : vector<384x512xf32> to vector<384x512xbf16>
    %slice3A_115 = vector.extract_strided_slice %convert_element_type3A_114 {offsets = [0, 0], sizes = [192, 256], strides = [1, 1]} : vector<384x512xbf16> to vector<192x256xbf16>
    %slice3A_116 = vector.extract_strided_slice %convert_element_type3A_114 {offsets = [192, 0], sizes = [192, 256], strides = [1, 1]} : vector<384x512xbf16> to vector<192x256xbf16>
    %add3A_117 = arith.addf %slice3A_115, %slice3A_116 : vector<192x256xbf16>
    %slice3A_118 = vector.extract_strided_slice %convert_element_type3A_114 {offsets = [0, 256], sizes = [192, 256], strides = [1, 1]} : vector<384x512xbf16> to vector<192x256xbf16>
    %slice3A_119 = vector.extract_strided_slice %convert_element_type3A_114 {offsets = [192, 256], sizes = [192, 256], strides = [1, 1]} : vector<384x512xbf16> to vector<192x256xbf16>
    %add3A_120 = arith.addf %slice3A_118, %slice3A_119 : vector<192x256xbf16>
    %slice3A_121 = vector.extract_strided_slice %convert_element_type3A_114 {offsets = [0, 0], sizes = [192, 256], strides = [1, 1]} : vector<384x512xbf16> to vector<192x256xbf16>
    %slice3A_122 = vector.extract_strided_slice %convert_element_type3A_114 {offsets = [192, 0], sizes = [192, 256], strides = [1, 1]} : vector<384x512xbf16> to vector<192x256xbf16>
    %sub3A_123 = arith.subf %slice3A_121, %slice3A_122 : vector<192x256xbf16>
    %slice3A_124 = vector.extract_strided_slice %convert_element_type3A_114 {offsets = [0, 256], sizes = [192, 256], strides = [1, 1]} : vector<384x512xbf16> to vector<192x256xbf16>
    %slice3A_125 = vector.extract_strided_slice %convert_element_type3A_114 {offsets = [192, 256], sizes = [192, 256], strides = [1, 1]} : vector<384x512xbf16> to vector<192x256xbf16>
    %sub3A_126 = arith.subf %slice3A_124, %slice3A_125 : vector<192x256xbf16>
    %add3A_127 = arith.addf %add3A_117, %add3A_120 : vector<192x256xbf16>
    %add3A_128 = arith.addf %sub3A_123, %sub3A_126 : vector<192x256xbf16>
    %get3A_129 = arith.constant 0 : index
    %get3A_130 = arith.constant 1 : index
    %get3A_131 = arith.constant 0 : index
    %get3A_132 = arith.constant 0 : index
    %get3A_133 = vector.load %arg3[%get3A_129, %get3A_130, %get3A_131, %get3A_132] : memref<1x4x384x384xf32, #tpu.memory_space<vmem>>, vector<1x1x384x384xf32>
    %get3A_134 = vector.shape_cast %get3A_133 : vector<1x1x384x384xf32> to vector<384x384xf32>
    %convert_element_type3A_135 = arith.truncf %get3A_134 : vector<384x384xf32> to vector<384x384xbf16>
    %get3A_136 = arith.constant 0 : index
    %get3A_137 = arith.constant 0 : index
    %get3A_138 = vector.load %arg4[%get3A_136, %get3A_137] : memref<384x512xbf16, #tpu.memory_space<vmem>>, vector<384x512xbf16>
    %dot_general3A_139 = arith.constant dense<0.000000e+00> : vector<384x512xf32>
    %dot_general3A_140 = tpu.matmul %convert_element_type3A_135, %get3A_138, %dot_general3A_139 {dimension_numbers = #tpu.dot_dimension_numbers<[1], [0], [0], [1], [0, 0, 1, 1], [], []>, transpose_lhs_hint = false} : vector<384x384xbf16>, vector<384x512xbf16>, vector<384x512xf32> -> vector<384x512xf32>
    %convert_element_type3A_141 = arith.truncf %dot_general3A_140 : vector<384x512xf32> to vector<384x512xbf16>
    %slice3A_142 = vector.extract_strided_slice %convert_element_type3A_141 {offsets = [0, 0], sizes = [192, 256], strides = [1, 1]} : vector<384x512xbf16> to vector<192x256xbf16>
    %slice3A_143 = vector.extract_strided_slice %convert_element_type3A_141 {offsets = [192, 0], sizes = [192, 256], strides = [1, 1]} : vector<384x512xbf16> to vector<192x256xbf16>
    %add3A_144 = arith.addf %slice3A_142, %slice3A_143 : vector<192x256xbf16>
    %slice3A_145 = vector.extract_strided_slice %convert_element_type3A_141 {offsets = [0, 256], sizes = [192, 256], strides = [1, 1]} : vector<384x512xbf16> to vector<192x256xbf16>
    %slice3A_146 = vector.extract_strided_slice %convert_element_type3A_141 {offsets = [192, 256], sizes = [192, 256], strides = [1, 1]} : vector<384x512xbf16> to vector<192x256xbf16>
    %add3A_147 = arith.addf %slice3A_145, %slice3A_146 : vector<192x256xbf16>
    %slice3A_148 = vector.extract_strided_slice %convert_element_type3A_141 {offsets = [0, 0], sizes = [192, 256], strides = [1, 1]} : vector<384x512xbf16> to vector<192x256xbf16>
    %slice3A_149 = vector.extract_strided_slice %convert_element_type3A_141 {offsets = [192, 0], sizes = [192, 256], strides = [1, 1]} : vector<384x512xbf16> to vector<192x256xbf16>
    %sub3A_150 = arith.subf %slice3A_148, %slice3A_149 : vector<192x256xbf16>
    %slice3A_151 = vector.extract_strided_slice %convert_element_type3A_141 {offsets = [0, 256], sizes = [192, 256], strides = [1, 1]} : vector<384x512xbf16> to vector<192x256xbf16>
    %slice3A_152 = vector.extract_strided_slice %convert_element_type3A_141 {offsets = [192, 256], sizes = [192, 256], strides = [1, 1]} : vector<384x512xbf16> to vector<192x256xbf16>
    %sub3A_153 = arith.subf %slice3A_151, %slice3A_152 : vector<192x256xbf16>
    %add3A_154 = arith.addf %add3A_144, %add3A_147 : vector<192x256xbf16>
    %add3A_155 = arith.addf %sub3A_150, %sub3A_153 : vector<192x256xbf16>
    %get3A_156 = arith.constant 0 : index
    %get3A_157 = arith.constant 2 : index
    %get3A_158 = arith.constant 0 : index
    %get3A_159 = arith.constant 0 : index
    %get3A_160 = vector.load %arg3[%get3A_156, %get3A_157, %get3A_158, %get3A_159] : memref<1x4x384x384xf32, #tpu.memory_space<vmem>>, vector<1x1x384x384xf32>
    %get3A_161 = vector.shape_cast %get3A_160 : vector<1x1x384x384xf32> to vector<384x384xf32>
    %convert_element_type3A_162 = arith.truncf %get3A_161 : vector<384x384xf32> to vector<384x384xbf16>
    %get3A_163 = arith.constant 0 : index
    %get3A_164 = arith.constant 0 : index
    %get3A_165 = vector.load %arg4[%get3A_163, %get3A_164] : memref<384x512xbf16, #tpu.memory_space<vmem>>, vector<384x512xbf16>
    %dot_general3A_166 = arith.constant dense<0.000000e+00> : vector<384x512xf32>
    %dot_general3A_167 = tpu.matmul %convert_element_type3A_162, %get3A_165, %dot_general3A_166 {dimension_numbers = #tpu.dot_dimension_numbers<[1], [0], [0], [1], [0, 0, 1, 1], [], []>, transpose_lhs_hint = false} : vector<384x384xbf16>, vector<384x512xbf16>, vector<384x512xf32> -> vector<384x512xf32>
    %convert_element_type3A_168 = arith.truncf %dot_general3A_167 : vector<384x512xf32> to vector<384x512xbf16>
    %slice3A_169 = vector.extract_strided_slice %convert_element_type3A_168 {offsets = [0, 0], sizes = [192, 256], strides = [1, 1]} : vector<384x512xbf16> to vector<192x256xbf16>
    %slice3A_170 = vector.extract_strided_slice %convert_element_type3A_168 {offsets = [192, 0], sizes = [192, 256], strides = [1, 1]} : vector<384x512xbf16> to vector<192x256xbf16>
    %add3A_171 = arith.addf %slice3A_169, %slice3A_170 : vector<192x256xbf16>
    %slice3A_172 = vector.extract_strided_slice %convert_element_type3A_168 {offsets = [0, 256], sizes = [192, 256], strides = [1, 1]} : vector<384x512xbf16> to vector<192x256xbf16>
    %slice3A_173 = vector.extract_strided_slice %convert_element_type3A_168 {offsets = [192, 256], sizes = [192, 256], strides = [1, 1]} : vector<384x512xbf16> to vector<192x256xbf16>
    %add3A_174 = arith.addf %slice3A_172, %slice3A_173 : vector<192x256xbf16>
    %slice3A_175 = vector.extract_strided_slice %convert_element_type3A_168 {offsets = [0, 0], sizes = [192, 256], strides = [1, 1]} : vector<384x512xbf16> to vector<192x256xbf16>
    %slice3A_176 = vector.extract_strided_slice %convert_element_type3A_168 {offsets = [192, 0], sizes = [192, 256], strides = [1, 1]} : vector<384x512xbf16> to vector<192x256xbf16>
    %sub3A_177 = arith.subf %slice3A_175, %slice3A_176 : vector<192x256xbf16>
    %slice3A_178 = vector.extract_strided_slice %convert_element_type3A_168 {offsets = [0, 256], sizes = [192, 256], strides = [1, 1]} : vector<384x512xbf16> to vector<192x256xbf16>
    %slice3A_179 = vector.extract_strided_slice %convert_element_type3A_168 {offsets = [192, 256], sizes = [192, 256], strides = [1, 1]} : vector<384x512xbf16> to vector<192x256xbf16>
    %sub3A_180 = arith.subf %slice3A_178, %slice3A_179 : vector<192x256xbf16>
    %add3A_181 = arith.addf %add3A_171, %add3A_174 : vector<192x256xbf16>
    %add3A_182 = arith.addf %sub3A_177, %sub3A_180 : vector<192x256xbf16>
    %get3A_183 = arith.constant 0 : index
    %get3A_184 = arith.constant 3 : index
    %get3A_185 = arith.constant 0 : index
    %get3A_186 = arith.constant 0 : index
    %get3A_187 = vector.load %arg3[%get3A_183, %get3A_184, %get3A_185, %get3A_186] : memref<1x4x384x384xf32, #tpu.memory_space<vmem>>, vector<1x1x384x384xf32>
    %get3A_188 = vector.shape_cast %get3A_187 : vector<1x1x384x384xf32> to vector<384x384xf32>
    %convert_element_type3A_189 = arith.truncf %get3A_188 : vector<384x384xf32> to vector<384x384xbf16>
    %get3A_190 = arith.constant 0 : index
    %get3A_191 = arith.constant 0 : index
    %get3A_192 = vector.load %arg4[%get3A_190, %get3A_191] : memref<384x512xbf16, #tpu.memory_space<vmem>>, vector<384x512xbf16>
    %dot_general3A_193 = arith.constant dense<0.000000e+00> : vector<384x512xf32>
    %dot_general3A_194 = tpu.matmul %convert_element_type3A_189, %get3A_192, %dot_general3A_193 {dimension_numbers = #tpu.dot_dimension_numbers<[1], [0], [0], [1], [0, 0, 1, 1], [], []>, transpose_lhs_hint = false} : vector<384x384xbf16>, vector<384x512xbf16>, vector<384x512xf32> -> vector<384x512xf32>
    %convert_element_type3A_195 = arith.truncf %dot_general3A_194 : vector<384x512xf32> to vector<384x512xbf16>
    %slice3A_196 = vector.extract_strided_slice %convert_element_type3A_195 {offsets = [0, 0], sizes = [192, 256], strides = [1, 1]} : vector<384x512xbf16> to vector<192x256xbf16>
    %slice3A_197 = vector.extract_strided_slice %convert_element_type3A_195 {offsets = [192, 0], sizes = [192, 256], strides = [1, 1]} : vector<384x512xbf16> to vector<192x256xbf16>
    %add3A_198 = arith.addf %slice3A_196, %slice3A_197 : vector<192x256xbf16>
    %slice3A_199 = vector.extract_strided_slice %convert_element_type3A_195 {offsets = [0, 256], sizes = [192, 256], strides = [1, 1]} : vector<384x512xbf16> to vector<192x256xbf16>
    %slice3A_200 = vector.extract_strided_slice %convert_element_type3A_195 {offsets = [192, 256], sizes = [192, 256], strides = [1, 1]} : vector<384x512xbf16> to vector<192x256xbf16>
    %add3A_201 = arith.addf %slice3A_199, %slice3A_200 : vector<192x256xbf16>
    %slice3A_202 = vector.extract_strided_slice %convert_element_type3A_195 {offsets = [0, 0], sizes = [192, 256], strides = [1, 1]} : vector<384x512xbf16> to vector<192x256xbf16>
    %slice3A_203 = vector.extract_strided_slice %convert_element_type3A_195 {offsets = [192, 0], sizes = [192, 256], strides = [1, 1]} : vector<384x512xbf16> to vector<192x256xbf16>
    %sub3A_204 = arith.subf %slice3A_202, %slice3A_203 : vector<192x256xbf16>
    %slice3A_205 = vector.extract_strided_slice %convert_element_type3A_195 {offsets = [0, 256], sizes = [192, 256], strides = [1, 1]} : vector<384x512xbf16> to vector<192x256xbf16>
    %slice3A_206 = vector.extract_strided_slice %convert_element_type3A_195 {offsets = [192, 256], sizes = [192, 256], strides = [1, 1]} : vector<384x512xbf16> to vector<192x256xbf16>
    %sub3A_207 = arith.subf %slice3A_205, %slice3A_206 : vector<192x256xbf16>
    %add3A_208 = arith.addf %add3A_198, %add3A_201 : vector<192x256xbf16>
    %add3A_209 = arith.addf %sub3A_204, %sub3A_207 : vector<192x256xbf16>
    %concatenate3A = tpu.concatenate %add3A, %add3A_36, %add3A_63, %add3A_90, %add3A_117, %add3A_144, %add3A_171, %add3A_198 in 1 : vector<192x256xbf16>, vector<192x256xbf16>, vector<192x256xbf16>, vector<192x256xbf16>, vector<192x256xbf16>, vector<192x256xbf16>, vector<192x256xbf16>, vector<192x256xbf16> -> vector<192x2048xbf16>
    %concatenate3A_210 = tpu.concatenate %add3A_13, %add3A_39, %add3A_66, %add3A_93, %add3A_120, %add3A_147, %add3A_174, %add3A_201 in 1 : vector<192x256xbf16>, vector<192x256xbf16>, vector<192x256xbf16>, vector<192x256xbf16>, vector<192x256xbf16>, vector<192x256xbf16>, vector<192x256xbf16>, vector<192x256xbf16> -> vector<192x2048xbf16>
    %concatenate3A_211 = tpu.concatenate %add3A_19, %add3A_46, %add3A_73, %add3A_100, %add3A_127, %add3A_154, %add3A_181, %add3A_208 in 1 : vector<192x256xbf16>, vector<192x256xbf16>, vector<192x256xbf16>, vector<192x256xbf16>, vector<192x256xbf16>, vector<192x256xbf16>, vector<192x256xbf16>, vector<192x256xbf16> -> vector<192x2048xbf16>
    %concatenate3A_212 = tpu.concatenate %sub3A, %sub3A_42, %sub3A_69, %sub3A_96, %sub3A_123, %sub3A_150, %sub3A_177, %sub3A_204 in 1 : vector<192x256xbf16>, vector<192x256xbf16>, vector<192x256xbf16>, vector<192x256xbf16>, vector<192x256xbf16>, vector<192x256xbf16>, vector<192x256xbf16>, vector<192x256xbf16> -> vector<192x2048xbf16>
    %concatenate3A_213 = tpu.concatenate %sub3A_18, %sub3A_45, %sub3A_72, %sub3A_99, %sub3A_126, %sub3A_153, %sub3A_180, %sub3A_207 in 1 : vector<192x256xbf16>, vector<192x256xbf16>, vector<192x256xbf16>, vector<192x256xbf16>, vector<192x256xbf16>, vector<192x256xbf16>, vector<192x256xbf16>, vector<192x256xbf16> -> vector<192x2048xbf16>
    %concatenate3A_214 = tpu.concatenate %add3A_20, %add3A_47, %add3A_74, %add3A_101, %add3A_128, %add3A_155, %add3A_182, %add3A_209 in 1 : vector<192x256xbf16>, vector<192x256xbf16>, vector<192x256xbf16>, vector<192x256xbf16>, vector<192x256xbf16>, vector<192x256xbf16>, vector<192x256xbf16>, vector<192x256xbf16> -> vector<192x2048xbf16>
    %get3A_215 = arith.constant 0 : index
    %get3A_216 = arith.constant 0 : index
    %get3A_217 = vector.load %arg5[%get3A_215, %get3A_216] : memref<192x192xbf16, #tpu.memory_space<vmem>>, vector<192x192xbf16>
    %dot_general3A_218 = arith.constant dense<0.000000e+00> : vector<192x2048xf32>
    %dot_general3A_219 = tpu.matmul %get3A_217, %concatenate3A, %dot_general3A_218 {dimension_numbers = #tpu.dot_dimension_numbers<[1], [0], [0], [1], [0, 0, 1, 1], [], []>, transpose_lhs_hint = false} : vector<192x192xbf16>, vector<192x2048xbf16>, vector<192x2048xf32> -> vector<192x2048xf32>
    %get3A_220 = arith.constant 0 : index
    %get3A_221 = arith.constant 0 : index
    %get3A_222 = vector.load %arg6[%get3A_220, %get3A_221] : memref<192x192xbf16, #tpu.memory_space<vmem>>, vector<192x192xbf16>
    %dot_general3A_223 = arith.constant dense<0.000000e+00> : vector<192x2048xf32>
    %dot_general3A_224 = tpu.matmul %get3A_222, %concatenate3A_210, %dot_general3A_223 {dimension_numbers = #tpu.dot_dimension_numbers<[1], [0], [0], [1], [0, 0, 1, 1], [], []>, transpose_lhs_hint = false} : vector<192x192xbf16>, vector<192x2048xbf16>, vector<192x2048xf32> -> vector<192x2048xf32>
    %get3A_225 = arith.constant 0 : index
    %get3A_226 = arith.constant 0 : index
    %get3A_227 = vector.load %arg7[%get3A_225, %get3A_226] : memref<192x192xbf16, #tpu.memory_space<vmem>>, vector<192x192xbf16>
    %dot_general3A_228 = arith.constant dense<0.000000e+00> : vector<192x2048xf32>
    %dot_general3A_229 = tpu.matmul %get3A_227, %concatenate3A_211, %dot_general3A_228 {dimension_numbers = #tpu.dot_dimension_numbers<[1], [0], [0], [1], [0, 0, 1, 1], [], []>, transpose_lhs_hint = false} : vector<192x192xbf16>, vector<192x2048xbf16>, vector<192x2048xf32> -> vector<192x2048xf32>
    %get3A_230 = arith.constant 0 : index
    %get3A_231 = arith.constant 0 : index
    %get3A_232 = vector.load %arg8[%get3A_230, %get3A_231] : memref<192x192xbf16, #tpu.memory_space<vmem>>, vector<192x192xbf16>
    %dot_general3A_233 = arith.constant dense<0.000000e+00> : vector<192x2048xf32>
    %dot_general3A_234 = tpu.matmul %get3A_232, %concatenate3A_212, %dot_general3A_233 {dimension_numbers = #tpu.dot_dimension_numbers<[1], [0], [0], [1], [0, 0, 1, 1], [], []>, transpose_lhs_hint = false} : vector<192x192xbf16>, vector<192x2048xbf16>, vector<192x2048xf32> -> vector<192x2048xf32>
    %get3A_235 = arith.constant 0 : index
    %get3A_236 = arith.constant 0 : index
    %get3A_237 = vector.load %arg9[%get3A_235, %get3A_236] : memref<192x192xbf16, #tpu.memory_space<vmem>>, vector<192x192xbf16>
    %dot_general3A_238 = arith.constant dense<0.000000e+00> : vector<192x2048xf32>
    %dot_general3A_239 = tpu.matmul %get3A_237, %concatenate3A_213, %dot_general3A_238 {dimension_numbers = #tpu.dot_dimension_numbers<[1], [0], [0], [1], [0, 0, 1, 1], [], []>, transpose_lhs_hint = false} : vector<192x192xbf16>, vector<192x2048xbf16>, vector<192x2048xf32> -> vector<192x2048xf32>
    %get3A_240 = arith.constant 0 : index
    %get3A_241 = arith.constant 0 : index
    %get3A_242 = vector.load %arg10[%get3A_240, %get3A_241] : memref<192x192xbf16, #tpu.memory_space<vmem>>, vector<192x192xbf16>
    %dot_general3A_243 = arith.constant dense<0.000000e+00> : vector<192x2048xf32>
    %dot_general3A_244 = tpu.matmul %get3A_242, %concatenate3A_214, %dot_general3A_243 {dimension_numbers = #tpu.dot_dimension_numbers<[1], [0], [0], [1], [0, 0, 1, 1], [], []>, transpose_lhs_hint = false} : vector<192x192xbf16>, vector<192x2048xbf16>, vector<192x2048xf32> -> vector<192x2048xf32>
    %sub3A_245 = arith.subf %dot_general3A_219, %dot_general3A_224 : vector<192x2048xf32>
    %sub3A_246 = arith.subf %dot_general3A_229, %dot_general3A_219 : vector<192x2048xf32>
    %sub3A_247 = arith.subf %sub3A_246, %dot_general3A_224 : vector<192x2048xf32>
    %mul3A = arith.mulf %sub3A_245, %sub3A_245 : vector<192x2048xf32>
    %mul3A_248 = arith.mulf %sub3A_247, %sub3A_247 : vector<192x2048xf32>
    %add3A_249 = arith.addf %mul3A, %mul3A_248 : vector<192x2048xf32>
    %sqrt3A = math.sqrt %add3A_249 : vector<192x2048xf32>
    %sub3A_250 = arith.subf %dot_general3A_234, %dot_general3A_239 : vector<192x2048xf32>
    %sub3A_251 = arith.subf %dot_general3A_244, %dot_general3A_234 : vector<192x2048xf32>
    %sub3A_252 = arith.subf %sub3A_251, %dot_general3A_239 : vector<192x2048xf32>
    %mul3A_253 = arith.mulf %sub3A_250, %sub3A_250 : vector<192x2048xf32>
    %mul3A_254 = arith.mulf %sub3A_252, %sub3A_252 : vector<192x2048xf32>
    %add3A_255 = arith.addf %mul3A_253, %mul3A_254 : vector<192x2048xf32>
    %sqrt3A_256 = math.sqrt %add3A_255 : vector<192x2048xf32>
    %slice3A_257 = vector.extract_strided_slice %sqrt3A {offsets = [0, 0], sizes = [192, 256], strides = [1, 1]} : vector<192x2048xf32> to vector<192x256xf32>
    %slice3A_258 = vector.extract_strided_slice %sqrt3A_256 {offsets = [0, 0], sizes = [192, 256], strides = [1, 1]} : vector<192x2048xf32> to vector<192x256xf32>
    %slice3A_259 = vector.extract_strided_slice %sqrt3A {offsets = [0, 256], sizes = [192, 256], strides = [1, 1]} : vector<192x2048xf32> to vector<192x256xf32>
    %add3A_260 = arith.addf %slice3A_257, %slice3A_259 : vector<192x256xf32>
    %slice3A_261 = vector.extract_strided_slice %sqrt3A_256 {offsets = [0, 256], sizes = [192, 256], strides = [1, 1]} : vector<192x2048xf32> to vector<192x256xf32>
    %add3A_262 = arith.addf %slice3A_258, %slice3A_261 : vector<192x256xf32>
    %slice3A_263 = vector.extract_strided_slice %sqrt3A {offsets = [0, 512], sizes = [192, 256], strides = [1, 1]} : vector<192x2048xf32> to vector<192x256xf32>
    %add3A_264 = arith.addf %add3A_260, %slice3A_263 : vector<192x256xf32>
    %slice3A_265 = vector.extract_strided_slice %sqrt3A_256 {offsets = [0, 512], sizes = [192, 256], strides = [1, 1]} : vector<192x2048xf32> to vector<192x256xf32>
    %add3A_266 = arith.addf %add3A_262, %slice3A_265 : vector<192x256xf32>
    %slice3A_267 = vector.extract_strided_slice %sqrt3A {offsets = [0, 768], sizes = [192, 256], strides = [1, 1]} : vector<192x2048xf32> to vector<192x256xf32>
    %add3A_268 = arith.addf %add3A_264, %slice3A_267 : vector<192x256xf32>
    %slice3A_269 = vector.extract_strided_slice %sqrt3A_256 {offsets = [0, 768], sizes = [192, 256], strides = [1, 1]} : vector<192x2048xf32> to vector<192x256xf32>
    %add3A_270 = arith.addf %add3A_266, %slice3A_269 : vector<192x256xf32>
    %slice3A_271 = vector.extract_strided_slice %sqrt3A {offsets = [0, 1024], sizes = [192, 256], strides = [1, 1]} : vector<192x2048xf32> to vector<192x256xf32>
    %add3A_272 = arith.addf %add3A_268, %slice3A_271 : vector<192x256xf32>
    %slice3A_273 = vector.extract_strided_slice %sqrt3A_256 {offsets = [0, 1024], sizes = [192, 256], strides = [1, 1]} : vector<192x2048xf32> to vector<192x256xf32>
    %add3A_274 = arith.addf %add3A_270, %slice3A_273 : vector<192x256xf32>
    %slice3A_275 = vector.extract_strided_slice %sqrt3A {offsets = [0, 1280], sizes = [192, 256], strides = [1, 1]} : vector<192x2048xf32> to vector<192x256xf32>
    %add3A_276 = arith.addf %add3A_272, %slice3A_275 : vector<192x256xf32>
    %slice3A_277 = vector.extract_strided_slice %sqrt3A_256 {offsets = [0, 1280], sizes = [192, 256], strides = [1, 1]} : vector<192x2048xf32> to vector<192x256xf32>
    %add3A_278 = arith.addf %add3A_274, %slice3A_277 : vector<192x256xf32>
    %slice3A_279 = vector.extract_strided_slice %sqrt3A {offsets = [0, 1536], sizes = [192, 256], strides = [1, 1]} : vector<192x2048xf32> to vector<192x256xf32>
    %add3A_280 = arith.addf %add3A_276, %slice3A_279 : vector<192x256xf32>
    %slice3A_281 = vector.extract_strided_slice %sqrt3A_256 {offsets = [0, 1536], sizes = [192, 256], strides = [1, 1]} : vector<192x2048xf32> to vector<192x256xf32>
    %add3A_282 = arith.addf %add3A_278, %slice3A_281 : vector<192x256xf32>
    %slice3A_283 = vector.extract_strided_slice %sqrt3A {offsets = [0, 1792], sizes = [192, 256], strides = [1, 1]} : vector<192x2048xf32> to vector<192x256xf32>
    %add3A_284 = arith.addf %add3A_280, %slice3A_283 : vector<192x256xf32>
    %slice3A_285 = vector.extract_strided_slice %sqrt3A_256 {offsets = [0, 1792], sizes = [192, 256], strides = [1, 1]} : vector<192x2048xf32> to vector<192x256xf32>
    %add3A_286 = arith.addf %add3A_282, %slice3A_285 : vector<192x256xf32>
    %concatenate3A_287 = tpu.concatenate %add3A_284, %add3A_286 in 0 : vector<192x256xf32>, vector<192x256xf32> -> vector<384x256xf32>
    %eq3A = arith.constant 0 : i32
    %eq3A_288 = arith.cmpi eq, %arg1, %eq3A : i32
    %convert_element_type3A_289 = arith.extui %eq3A_288 : i1 to i32
    %cond3A = arith.constant 0 : i32
    %cond3A_290 = arith.cmpi ne, %convert_element_type3A_289, %cond3A : i32
    scf.if %cond3A_290 {
      %swap3A = arith.constant 0 : index
      %swap3A_300 = arith.constant 0 : index
      %swap3A_301 = arith.constant 0 : index
      %swap3A_302 = vector.load %arg11[%swap3A, %swap3A_300, %swap3A_301] : memref<1x384x256xf32, #tpu.memory_space<vmem>>, vector<1x384x256xf32>
      %swap3A_303 = vector.shape_cast %swap3A_302 : vector<1x384x256xf32> to vector<384x256xf32>
      %swap3A_304 = vector.shape_cast %concatenate3A_287 : vector<384x256xf32> to vector<1x384x256xf32>
      tpu.vector_store %arg11[%swap3A, %swap3A_300, %swap3A_301], %swap3A_304 {strides = array<i32>} : memref<1x384x256xf32, #tpu.memory_space<vmem>>, vector<1x384x256xf32>,
    } else {
    }
    %ne3A = arith.constant 0 : i32
    %ne3A_291 = arith.cmpi ne, %arg1, %ne3A : i32
    %convert_element_type3A_292 = arith.extui %ne3A_291 : i1 to i32
    %cond3A_293 = arith.constant 0 : i32
    %cond3A_294 = arith.cmpi ne, %convert_element_type3A_292, %cond3A_293 : i32
    scf.if %cond3A_294 {
      %get3A_300 = arith.constant 0 : index
      %get3A_301 = arith.constant 0 : index
      %get3A_302 = arith.constant 0 : index
      %get3A_303 = vector.load %arg11[%get3A_300, %get3A_301, %get3A_302] : memref<1x384x256xf32, #tpu.memory_space<vmem>>, vector<1x384x256xf32>
      %get3A_304 = vector.shape_cast %get3A_303 : vector<1x384x256xf32> to vector<384x256xf32>
      %add3A_305 = arith.addf %get3A_304, %concatenate3A_287 : vector<384x256xf32>
      %swap3A = arith.constant 0 : index
      %swap3A_306 = arith.constant 0 : index
      %swap3A_307 = arith.constant 0 : index
      %swap3A_308 = vector.load %arg11[%swap3A, %swap3A_306, %swap3A_307] : memref<1x384x256xf32, #tpu.memory_space<vmem>>, vector<1x384x256xf32>
      %swap3A_309 = vector.shape_cast %swap3A_308 : vector<1x384x256xf32> to vector<384x256xf32>
      %swap3A_310 = vector.shape_cast %add3A_305 : vector<384x256xf32> to vector<1x384x256xf32>
      tpu.vector_store %arg11[%swap3A, %swap3A_306, %swap3A_307], %swap3A_310 {strides = array<i32>} : memref<1x384x256xf32, #tpu.memory_space<vmem>>, vector<1x384x256xf32>,
    } else {
    }
    %eq3A_295 = arith.constant 11 : i32
    %eq3A_296 = arith.cmpi eq, %arg1, %eq3A_295 : i32
    %convert_element_type3A_297 = arith.extui %eq3A_296 : i1 to i32
    %cond3A_298 = arith.constant 0 : i32
    %cond3A_299 = arith.cmpi ne, %convert_element_type3A_297, %cond3A_298 : i32
    scf.if %cond3A_299 {
      %get3A_300 = arith.constant 0 : index
      %get3A_301 = arith.constant 0 : index
      %get3A_302 = arith.constant 0 : index
      %get3A_303 = vector.load %arg11[%get3A_300, %get3A_301, %get3A_302] : memref<1x384x256xf32, #tpu.memory_space<vmem>>, vector<1x384x256xf32>
      %get3A_304 = vector.shape_cast %get3A_303 : vector<1x384x256xf32> to vector<384x256xf32>
      %mul3A_305 = arith.constant 0.010416667 : f32
      %mul3A_306 = vector.broadcast %mul3A_305 : f32 to vector<384x256xf32>
      %mul3A_307 = arith.mulf %get3A_304, %mul3A_306 : vector<384x256xf32>
      %log1p3A = math.log1p %mul3A_307 : vector<384x256xf32>
      %swap3A = arith.constant 0 : index
      %swap3A_308 = arith.constant 0 : index
      %swap3A_309 = arith.constant 0 : index
      %swap3A_310 = vector.load %arg11[%swap3A, %swap3A_308, %swap3A_309] : memref<1x384x256xf32, #tpu.memory_space<vmem>>, vector<1x384x256xf32>
      %swap3A_311 = vector.shape_cast %swap3A_310 : vector<1x384x256xf32> to vector<384x256xf32>
      %swap3A_312 = vector.shape_cast %log1p3A : vector<384x256xf32> to vector<1x384x256xf32>
      tpu.vector_store %arg11[%swap3A, %swap3A_308, %swap3A_309], %swap3A_312 {strides = array<i32>} : memref<1x384x256xf32, #tpu.memory_space<vmem>>, vector<1x384x256xf32>,
    } else {
    }
    return
  }
  func.func @transform_0(%arg0: i32, %arg1: i32) -> (i32, i32, i32, i32) {
    %mul3A = arith.constant 2 : i32
    %mul3A_0 = arith.muli %mul3A, %arg1 : i32
    %c0_i32 = arith.constant 0 : i32
    %c0_i32_1 = arith.constant 0 : i32
    %c0_i32_2 = arith.constant 0 : i32
    return %arg0, %mul3A_0, %c0_i32, %c0_i32_1 : i32, i32, i32, i32
  }
  func.func @transform_1(%arg0: i32, %arg1: i32) -> (i32, i32, i32, i32) {
    %mul3A = arith.constant 2 : i32
    %mul3A_0 = arith.muli %mul3A, %arg1 : i32
    %add3A = arith.constant 1 : i32
    %add3A_1 = arith.addi %mul3A_0, %add3A : i32
    %c0_i32 = arith.constant 0 : i32
    %c0_i32_2 = arith.constant 0 : i32
    %c0_i32_3 = arith.constant 0 : i32
    return %arg0, %add3A_1, %c0_i32, %c0_i32_2 : i32, i32, i32, i32
  }
  func.func @transform_2(%arg0: i32, %arg1: i32) -> (i32, i32) {
    %c0_i32 = arith.constant 0 : i32
    %c0_i32_0 = arith.constant 0 : i32
    %c0_i32_1 = arith.constant 0 : i32
    return %c0_i32, %c0_i32_0 : i32, i32
  }
  func.func @transform_3(%arg0: i32, %arg1: i32) -> (i32, i32) {
    %c0_i32 = arith.constant 0 : i32
    %c0_i32_0 = arith.constant 0 : i32
    %c0_i32_1 = arith.constant 0 : i32
    return %c0_i32, %c0_i32_0 : i32, i32
  }
  func.func @transform_4(%arg0: i32, %arg1: i32) -> (i32, i32) {
    %c0_i32 = arith.constant 0 : i32
    %c0_i32_0 = arith.constant 0 : i32
    %c0_i32_1 = arith.constant 0 : i32
    return %c0_i32, %c0_i32_0 : i32, i32
  }
  func.func @transform_5(%arg0: i32, %arg1: i32) -> (i32, i32) {
    %c0_i32 = arith.constant 0 : i32
    %c0_i32_0 = arith.constant 0 : i32
    %c0_i32_1 = arith.constant 0 : i32
    return %c0_i32, %c0_i32_0 : i32, i32
  }
  func.func @transform_6(%arg0: i32, %arg1: i32) -> (i32, i32) {
    %c0_i32 = arith.constant 0 : i32
    %c0_i32_0 = arith.constant 0 : i32
    %c0_i32_1 = arith.constant 0 : i32
    return %c0_i32, %c0_i32_0 : i32, i32
  }
  func.func @transform_7(%arg0: i32, %arg1: i32) -> (i32, i32) {
    %c0_i32 = arith.constant 0 : i32
    %c0_i32_0 = arith.constant 0 : i32
    %c0_i32_1 = arith.constant 0 : i32
    return %c0_i32, %c0_i32_0 : i32, i32
  }
  func.func @transform_8(%arg0: i32, %arg1: i32) -> (i32, i32) {
    %c0_i32 = arith.constant 0 : i32
    %c0_i32_0 = arith.constant 0 : i32
    %c0_i32_1 = arith.constant 0 : i32
    return %c0_i32, %c0_i32_0 : i32, i32
  }
  func.func @transform_9(%arg0: i32, %arg1: i32) -> (i32, i32, i32) {
    %c0_i32 = arith.constant 0 : i32
    %c0_i32_0 = arith.constant 0 : i32
    %c0_i32_1 = arith.constant 0 : i32
    return %arg0, %c0_i32, %c0_i32_0 : i32, i32, i32
  }
}

module attributes {stable_mosaic.version = 14 : i64} {
  func.func @_tc_hist_kernel(%arg0: memref<4x98304xf32, #tpu.memory_space<vmem>>, %arg1: memref<1x98304xi32, #tpu.memory_space<vmem>>, %arg2: memref<24x64xf32, #tpu.memory_space<vmem>>, %arg3: memref<1x64xf32, #tpu.memory_space<vmem>>, %arg4: memref<4x64xf32, #tpu.memory_space<vmem>>) attributes {dimension_semantics = [], scalar_prefetch = 0 : i64, scratch_operands = 0 : i64, tpu.core_type = #tpu.core_type<tc>} {
    %get3A = arith.constant 0 : index
    %get3A_0 = arith.constant 0 : index
    %get3A_1 = vector.load %arg0[%get3A, %get3A_0] : memref<4x98304xf32, #tpu.memory_space<vmem>>, vector<4x98304xf32>
    %get3A_2 = arith.constant 0 : index
    %get3A_3 = arith.constant 0 : index
    %get3A_4 = vector.load %arg1[%get3A_2, %get3A_3] : memref<1x98304xi32, #tpu.memory_space<vmem>>, vector<1x98304xi32>
    %shift_right_logical3A = arith.constant 3 : i32
    %shift_right_logical3A_5 = vector.broadcast %shift_right_logical3A : i32 to vector<1x98304xi32>
    %shift_right_logical3A_6 = arith.shrui %get3A_4, %shift_right_logical3A_5 : vector<1x98304xi32>
    %and3A = arith.constant 7 : i32
    %and3A_7 = vector.broadcast %and3A : i32 to vector<1x98304xi32>
    %and3A_8 = arith.andi %get3A_4, %and3A_7 : vector<1x98304xi32>
    %eq3A = arith.constant 0 : i32
    %eq3A_9 = vector.broadcast %eq3A : i32 to vector<1x98304xi32>
    %eq3A_10 = arith.cmpi eq, %shift_right_logical3A_6, %eq3A_9 : vector<1x98304xi32>
    %jit3A = arith.constant 0.000000e+00 : f32
    %broadcast_in_dim3A = vector.shape_cast %eq3A_10 : vector<1x98304xi1> to vector<1x98304xi1>
    %broadcast_in_dim3A_11 = vector.broadcast %broadcast_in_dim3A : vector<1x98304xi1> to vector<4x98304xi1>
    %broadcast_in_dim3A_12 = vector.broadcast %jit3A : f32 to vector<4x98304xf32>
    %select_n3A = arith.select %broadcast_in_dim3A_11, %get3A_1, %broadcast_in_dim3A_12 : vector<4x98304xi1>, vector<4x98304xf32>
    %reduce_sum3A = arith.constant dense<0.000000e+00> : vector<4xf32>
    %reduce_sum3A_13 = vector.multi_reduction <add>, %select_n3A, %reduce_sum3A [1] : vector<4x98304xf32> to vector<4xf32>
    %broadcast_in_dim3A_14 = vector.shape_cast %reduce_sum3A_13 : vector<4xf32> to vector<4x1xf32>
    %eq3A_15 = arith.constant 1 : i32
    %eq3A_16 = vector.broadcast %eq3A_15 : i32 to vector<1x98304xi32>
    %eq3A_17 = arith.cmpi eq, %shift_right_logical3A_6, %eq3A_16 : vector<1x98304xi32>
    %jit3A_18 = arith.constant 0.000000e+00 : f32
    %broadcast_in_dim3A_19 = vector.shape_cast %eq3A_17 : vector<1x98304xi1> to vector<1x98304xi1>
    %broadcast_in_dim3A_20 = vector.broadcast %broadcast_in_dim3A_19 : vector<1x98304xi1> to vector<4x98304xi1>
    %broadcast_in_dim3A_21 = vector.broadcast %jit3A_18 : f32 to vector<4x98304xf32>
    %select_n3A_22 = arith.select %broadcast_in_dim3A_20, %get3A_1, %broadcast_in_dim3A_21 : vector<4x98304xi1>, vector<4x98304xf32>
    %reduce_sum3A_23 = arith.constant dense<0.000000e+00> : vector<4xf32>
    %reduce_sum3A_24 = vector.multi_reduction <add>, %select_n3A_22, %reduce_sum3A_23 [1] : vector<4x98304xf32> to vector<4xf32>
    %broadcast_in_dim3A_25 = vector.shape_cast %reduce_sum3A_24 : vector<4xf32> to vector<4x1xf32>
    %eq3A_26 = arith.constant 2 : i32
    %eq3A_27 = vector.broadcast %eq3A_26 : i32 to vector<1x98304xi32>
    %eq3A_28 = arith.cmpi eq, %shift_right_logical3A_6, %eq3A_27 : vector<1x98304xi32>
    %jit3A_29 = arith.constant 0.000000e+00 : f32
    %broadcast_in_dim3A_30 = vector.shape_cast %eq3A_28 : vector<1x98304xi1> to vector<1x98304xi1>
    %broadcast_in_dim3A_31 = vector.broadcast %broadcast_in_dim3A_30 : vector<1x98304xi1> to vector<4x98304xi1>
    %broadcast_in_dim3A_32 = vector.broadcast %jit3A_29 : f32 to vector<4x98304xf32>
    %select_n3A_33 = arith.select %broadcast_in_dim3A_31, %get3A_1, %broadcast_in_dim3A_32 : vector<4x98304xi1>, vector<4x98304xf32>
    %reduce_sum3A_34 = arith.constant dense<0.000000e+00> : vector<4xf32>
    %reduce_sum3A_35 = vector.multi_reduction <add>, %select_n3A_33, %reduce_sum3A_34 [1] : vector<4x98304xf32> to vector<4xf32>
    %broadcast_in_dim3A_36 = vector.shape_cast %reduce_sum3A_35 : vector<4xf32> to vector<4x1xf32>
    %eq3A_37 = arith.constant 3 : i32
    %eq3A_38 = vector.broadcast %eq3A_37 : i32 to vector<1x98304xi32>
    %eq3A_39 = arith.cmpi eq, %shift_right_logical3A_6, %eq3A_38 : vector<1x98304xi32>
    %jit3A_40 = arith.constant 0.000000e+00 : f32
    %broadcast_in_dim3A_41 = vector.shape_cast %eq3A_39 : vector<1x98304xi1> to vector<1x98304xi1>
    %broadcast_in_dim3A_42 = vector.broadcast %broadcast_in_dim3A_41 : vector<1x98304xi1> to vector<4x98304xi1>
    %broadcast_in_dim3A_43 = vector.broadcast %jit3A_40 : f32 to vector<4x98304xf32>
    %select_n3A_44 = arith.select %broadcast_in_dim3A_42, %get3A_1, %broadcast_in_dim3A_43 : vector<4x98304xi1>, vector<4x98304xf32>
    %reduce_sum3A_45 = arith.constant dense<0.000000e+00> : vector<4xf32>
    %reduce_sum3A_46 = vector.multi_reduction <add>, %select_n3A_44, %reduce_sum3A_45 [1] : vector<4x98304xf32> to vector<4xf32>
    %broadcast_in_dim3A_47 = vector.shape_cast %reduce_sum3A_46 : vector<4xf32> to vector<4x1xf32>
    %eq3A_48 = arith.constant 4 : i32
    %eq3A_49 = vector.broadcast %eq3A_48 : i32 to vector<1x98304xi32>
    %eq3A_50 = arith.cmpi eq, %shift_right_logical3A_6, %eq3A_49 : vector<1x98304xi32>
    %jit3A_51 = arith.constant 0.000000e+00 : f32
    %broadcast_in_dim3A_52 = vector.shape_cast %eq3A_50 : vector<1x98304xi1> to vector<1x98304xi1>
    %broadcast_in_dim3A_53 = vector.broadcast %broadcast_in_dim3A_52 : vector<1x98304xi1> to vector<4x98304xi1>
    %broadcast_in_dim3A_54 = vector.broadcast %jit3A_51 : f32 to vector<4x98304xf32>
    %select_n3A_55 = arith.select %broadcast_in_dim3A_53, %get3A_1, %broadcast_in_dim3A_54 : vector<4x98304xi1>, vector<4x98304xf32>
    %reduce_sum3A_56 = arith.constant dense<0.000000e+00> : vector<4xf32>
    %reduce_sum3A_57 = vector.multi_reduction <add>, %select_n3A_55, %reduce_sum3A_56 [1] : vector<4x98304xf32> to vector<4xf32>
    %broadcast_in_dim3A_58 = vector.shape_cast %reduce_sum3A_57 : vector<4xf32> to vector<4x1xf32>
    %eq3A_59 = arith.constant 5 : i32
    %eq3A_60 = vector.broadcast %eq3A_59 : i32 to vector<1x98304xi32>
    %eq3A_61 = arith.cmpi eq, %shift_right_logical3A_6, %eq3A_60 : vector<1x98304xi32>
    %jit3A_62 = arith.constant 0.000000e+00 : f32
    %broadcast_in_dim3A_63 = vector.shape_cast %eq3A_61 : vector<1x98304xi1> to vector<1x98304xi1>
    %broadcast_in_dim3A_64 = vector.broadcast %broadcast_in_dim3A_63 : vector<1x98304xi1> to vector<4x98304xi1>
    %broadcast_in_dim3A_65 = vector.broadcast %jit3A_62 : f32 to vector<4x98304xf32>
    %select_n3A_66 = arith.select %broadcast_in_dim3A_64, %get3A_1, %broadcast_in_dim3A_65 : vector<4x98304xi1>, vector<4x98304xf32>
    %reduce_sum3A_67 = arith.constant dense<0.000000e+00> : vector<4xf32>
    %reduce_sum3A_68 = vector.multi_reduction <add>, %select_n3A_66, %reduce_sum3A_67 [1] : vector<4x98304xf32> to vector<4xf32>
    %broadcast_in_dim3A_69 = vector.shape_cast %reduce_sum3A_68 : vector<4xf32> to vector<4x1xf32>
    %eq3A_70 = arith.constant 6 : i32
    %eq3A_71 = vector.broadcast %eq3A_70 : i32 to vector<1x98304xi32>
    %eq3A_72 = arith.cmpi eq, %shift_right_logical3A_6, %eq3A_71 : vector<1x98304xi32>
    %jit3A_73 = arith.constant 0.000000e+00 : f32
    %broadcast_in_dim3A_74 = vector.shape_cast %eq3A_72 : vector<1x98304xi1> to vector<1x98304xi1>
    %broadcast_in_dim3A_75 = vector.broadcast %broadcast_in_dim3A_74 : vector<1x98304xi1> to vector<4x98304xi1>
    %broadcast_in_dim3A_76 = vector.broadcast %jit3A_73 : f32 to vector<4x98304xf32>
    %select_n3A_77 = arith.select %broadcast_in_dim3A_75, %get3A_1, %broadcast_in_dim3A_76 : vector<4x98304xi1>, vector<4x98304xf32>
    %reduce_sum3A_78 = arith.constant dense<0.000000e+00> : vector<4xf32>
    %reduce_sum3A_79 = vector.multi_reduction <add>, %select_n3A_77, %reduce_sum3A_78 [1] : vector<4x98304xf32> to vector<4xf32>
    %broadcast_in_dim3A_80 = vector.shape_cast %reduce_sum3A_79 : vector<4xf32> to vector<4x1xf32>
    %eq3A_81 = arith.constant 7 : i32
    %eq3A_82 = vector.broadcast %eq3A_81 : i32 to vector<1x98304xi32>
    %eq3A_83 = arith.cmpi eq, %shift_right_logical3A_6, %eq3A_82 : vector<1x98304xi32>
    %jit3A_84 = arith.constant 0.000000e+00 : f32
    %broadcast_in_dim3A_85 = vector.shape_cast %eq3A_83 : vector<1x98304xi1> to vector<1x98304xi1>
    %broadcast_in_dim3A_86 = vector.broadcast %broadcast_in_dim3A_85 : vector<1x98304xi1> to vector<4x98304xi1>
    %broadcast_in_dim3A_87 = vector.broadcast %jit3A_84 : f32 to vector<4x98304xf32>
    %select_n3A_88 = arith.select %broadcast_in_dim3A_86, %get3A_1, %broadcast_in_dim3A_87 : vector<4x98304xi1>, vector<4x98304xf32>
    %reduce_sum3A_89 = arith.constant dense<0.000000e+00> : vector<4xf32>
    %reduce_sum3A_90 = vector.multi_reduction <add>, %select_n3A_88, %reduce_sum3A_89 [1] : vector<4x98304xf32> to vector<4xf32>
    %broadcast_in_dim3A_91 = vector.shape_cast %reduce_sum3A_90 : vector<4xf32> to vector<4x1xf32>
    %eq3A_92 = arith.constant 8 : i32
    %eq3A_93 = vector.broadcast %eq3A_92 : i32 to vector<1x98304xi32>
    %eq3A_94 = arith.cmpi eq, %shift_right_logical3A_6, %eq3A_93 : vector<1x98304xi32>
    %jit3A_95 = arith.constant 0.000000e+00 : f32
    %broadcast_in_dim3A_96 = vector.shape_cast %eq3A_94 : vector<1x98304xi1> to vector<1x98304xi1>
    %broadcast_in_dim3A_97 = vector.broadcast %broadcast_in_dim3A_96 : vector<1x98304xi1> to vector<4x98304xi1>
    %broadcast_in_dim3A_98 = vector.broadcast %jit3A_95 : f32 to vector<4x98304xf32>
    %select_n3A_99 = arith.select %broadcast_in_dim3A_97, %get3A_1, %broadcast_in_dim3A_98 : vector<4x98304xi1>, vector<4x98304xf32>
    %reduce_sum3A_100 = arith.constant dense<0.000000e+00> : vector<4xf32>
    %reduce_sum3A_101 = vector.multi_reduction <add>, %select_n3A_99, %reduce_sum3A_100 [1] : vector<4x98304xf32> to vector<4xf32>
    %broadcast_in_dim3A_102 = vector.shape_cast %reduce_sum3A_101 : vector<4xf32> to vector<4x1xf32>
    %eq3A_103 = arith.constant 9 : i32
    %eq3A_104 = vector.broadcast %eq3A_103 : i32 to vector<1x98304xi32>
    %eq3A_105 = arith.cmpi eq, %shift_right_logical3A_6, %eq3A_104 : vector<1x98304xi32>
    %jit3A_106 = arith.constant 0.000000e+00 : f32
    %broadcast_in_dim3A_107 = vector.shape_cast %eq3A_105 : vector<1x98304xi1> to vector<1x98304xi1>
    %broadcast_in_dim3A_108 = vector.broadcast %broadcast_in_dim3A_107 : vector<1x98304xi1> to vector<4x98304xi1>
    %broadcast_in_dim3A_109 = vector.broadcast %jit3A_106 : f32 to vector<4x98304xf32>
    %select_n3A_110 = arith.select %broadcast_in_dim3A_108, %get3A_1, %broadcast_in_dim3A_109 : vector<4x98304xi1>, vector<4x98304xf32>
    %reduce_sum3A_111 = arith.constant dense<0.000000e+00> : vector<4xf32>
    %reduce_sum3A_112 = vector.multi_reduction <add>, %select_n3A_110, %reduce_sum3A_111 [1] : vector<4x98304xf32> to vector<4xf32>
    %broadcast_in_dim3A_113 = vector.shape_cast %reduce_sum3A_112 : vector<4xf32> to vector<4x1xf32>
    %eq3A_114 = arith.constant 10 : i32
    %eq3A_115 = vector.broadcast %eq3A_114 : i32 to vector<1x98304xi32>
    %eq3A_116 = arith.cmpi eq, %shift_right_logical3A_6, %eq3A_115 : vector<1x98304xi32>
    %jit3A_117 = arith.constant 0.000000e+00 : f32
    %broadcast_in_dim3A_118 = vector.shape_cast %eq3A_116 : vector<1x98304xi1> to vector<1x98304xi1>
    %broadcast_in_dim3A_119 = vector.broadcast %broadcast_in_dim3A_118 : vector<1x98304xi1> to vector<4x98304xi1>
    %broadcast_in_dim3A_120 = vector.broadcast %jit3A_117 : f32 to vector<4x98304xf32>
    %select_n3A_121 = arith.select %broadcast_in_dim3A_119, %get3A_1, %broadcast_in_dim3A_120 : vector<4x98304xi1>, vector<4x98304xf32>
    %reduce_sum3A_122 = arith.constant dense<0.000000e+00> : vector<4xf32>
    %reduce_sum3A_123 = vector.multi_reduction <add>, %select_n3A_121, %reduce_sum3A_122 [1] : vector<4x98304xf32> to vector<4xf32>
    %broadcast_in_dim3A_124 = vector.shape_cast %reduce_sum3A_123 : vector<4xf32> to vector<4x1xf32>
    %eq3A_125 = arith.constant 11 : i32
    %eq3A_126 = vector.broadcast %eq3A_125 : i32 to vector<1x98304xi32>
    %eq3A_127 = arith.cmpi eq, %shift_right_logical3A_6, %eq3A_126 : vector<1x98304xi32>
    %jit3A_128 = arith.constant 0.000000e+00 : f32
    %broadcast_in_dim3A_129 = vector.shape_cast %eq3A_127 : vector<1x98304xi1> to vector<1x98304xi1>
    %broadcast_in_dim3A_130 = vector.broadcast %broadcast_in_dim3A_129 : vector<1x98304xi1> to vector<4x98304xi1>
    %broadcast_in_dim3A_131 = vector.broadcast %jit3A_128 : f32 to vector<4x98304xf32>
    %select_n3A_132 = arith.select %broadcast_in_dim3A_130, %get3A_1, %broadcast_in_dim3A_131 : vector<4x98304xi1>, vector<4x98304xf32>
    %reduce_sum3A_133 = arith.constant dense<0.000000e+00> : vector<4xf32>
    %reduce_sum3A_134 = vector.multi_reduction <add>, %select_n3A_132, %reduce_sum3A_133 [1] : vector<4x98304xf32> to vector<4xf32>
    %broadcast_in_dim3A_135 = vector.shape_cast %reduce_sum3A_134 : vector<4xf32> to vector<4x1xf32>
    %eq3A_136 = arith.constant 12 : i32
    %eq3A_137 = vector.broadcast %eq3A_136 : i32 to vector<1x98304xi32>
    %eq3A_138 = arith.cmpi eq, %shift_right_logical3A_6, %eq3A_137 : vector<1x98304xi32>
    %jit3A_139 = arith.constant 0.000000e+00 : f32
    %broadcast_in_dim3A_140 = vector.shape_cast %eq3A_138 : vector<1x98304xi1> to vector<1x98304xi1>
    %broadcast_in_dim3A_141 = vector.broadcast %broadcast_in_dim3A_140 : vector<1x98304xi1> to vector<4x98304xi1>
    %broadcast_in_dim3A_142 = vector.broadcast %jit3A_139 : f32 to vector<4x98304xf32>
    %select_n3A_143 = arith.select %broadcast_in_dim3A_141, %get3A_1, %broadcast_in_dim3A_142 : vector<4x98304xi1>, vector<4x98304xf32>
    %reduce_sum3A_144 = arith.constant dense<0.000000e+00> : vector<4xf32>
    %reduce_sum3A_145 = vector.multi_reduction <add>, %select_n3A_143, %reduce_sum3A_144 [1] : vector<4x98304xf32> to vector<4xf32>
    %broadcast_in_dim3A_146 = vector.shape_cast %reduce_sum3A_145 : vector<4xf32> to vector<4x1xf32>
    %eq3A_147 = arith.constant 13 : i32
    %eq3A_148 = vector.broadcast %eq3A_147 : i32 to vector<1x98304xi32>
    %eq3A_149 = arith.cmpi eq, %shift_right_logical3A_6, %eq3A_148 : vector<1x98304xi32>
    %jit3A_150 = arith.constant 0.000000e+00 : f32
    %broadcast_in_dim3A_151 = vector.shape_cast %eq3A_149 : vector<1x98304xi1> to vector<1x98304xi1>
    %broadcast_in_dim3A_152 = vector.broadcast %broadcast_in_dim3A_151 : vector<1x98304xi1> to vector<4x98304xi1>
    %broadcast_in_dim3A_153 = vector.broadcast %jit3A_150 : f32 to vector<4x98304xf32>
    %select_n3A_154 = arith.select %broadcast_in_dim3A_152, %get3A_1, %broadcast_in_dim3A_153 : vector<4x98304xi1>, vector<4x98304xf32>
    %reduce_sum3A_155 = arith.constant dense<0.000000e+00> : vector<4xf32>
    %reduce_sum3A_156 = vector.multi_reduction <add>, %select_n3A_154, %reduce_sum3A_155 [1] : vector<4x98304xf32> to vector<4xf32>
    %broadcast_in_dim3A_157 = vector.shape_cast %reduce_sum3A_156 : vector<4xf32> to vector<4x1xf32>
    %eq3A_158 = arith.constant 14 : i32
    %eq3A_159 = vector.broadcast %eq3A_158 : i32 to vector<1x98304xi32>
    %eq3A_160 = arith.cmpi eq, %shift_right_logical3A_6, %eq3A_159 : vector<1x98304xi32>
    %jit3A_161 = arith.constant 0.000000e+00 : f32
    %broadcast_in_dim3A_162 = vector.shape_cast %eq3A_160 : vector<1x98304xi1> to vector<1x98304xi1>
    %broadcast_in_dim3A_163 = vector.broadcast %broadcast_in_dim3A_162 : vector<1x98304xi1> to vector<4x98304xi1>
    %broadcast_in_dim3A_164 = vector.broadcast %jit3A_161 : f32 to vector<4x98304xf32>
    %select_n3A_165 = arith.select %broadcast_in_dim3A_163, %get3A_1, %broadcast_in_dim3A_164 : vector<4x98304xi1>, vector<4x98304xf32>
    %reduce_sum3A_166 = arith.constant dense<0.000000e+00> : vector<4xf32>
    %reduce_sum3A_167 = vector.multi_reduction <add>, %select_n3A_165, %reduce_sum3A_166 [1] : vector<4x98304xf32> to vector<4xf32>
    %broadcast_in_dim3A_168 = vector.shape_cast %reduce_sum3A_167 : vector<4xf32> to vector<4x1xf32>
    %eq3A_169 = arith.constant 15 : i32
    %eq3A_170 = vector.broadcast %eq3A_169 : i32 to vector<1x98304xi32>
    %eq3A_171 = arith.cmpi eq, %shift_right_logical3A_6, %eq3A_170 : vector<1x98304xi32>
    %jit3A_172 = arith.constant 0.000000e+00 : f32
    %broadcast_in_dim3A_173 = vector.shape_cast %eq3A_171 : vector<1x98304xi1> to vector<1x98304xi1>
    %broadcast_in_dim3A_174 = vector.broadcast %broadcast_in_dim3A_173 : vector<1x98304xi1> to vector<4x98304xi1>
    %broadcast_in_dim3A_175 = vector.broadcast %jit3A_172 : f32 to vector<4x98304xf32>
    %select_n3A_176 = arith.select %broadcast_in_dim3A_174, %get3A_1, %broadcast_in_dim3A_175 : vector<4x98304xi1>, vector<4x98304xf32>
    %reduce_sum3A_177 = arith.constant dense<0.000000e+00> : vector<4xf32>
    %reduce_sum3A_178 = vector.multi_reduction <add>, %select_n3A_176, %reduce_sum3A_177 [1] : vector<4x98304xf32> to vector<4xf32>
    %broadcast_in_dim3A_179 = vector.shape_cast %reduce_sum3A_178 : vector<4xf32> to vector<4x1xf32>
    %eq3A_180 = arith.constant 0 : i32
    %eq3A_181 = vector.broadcast %eq3A_180 : i32 to vector<1x98304xi32>
    %eq3A_182 = arith.cmpi eq, %and3A_8, %eq3A_181 : vector<1x98304xi32>
    %jit3A_183 = arith.constant 0.000000e+00 : f32
    %broadcast_in_dim3A_184 = vector.shape_cast %eq3A_182 : vector<1x98304xi1> to vector<1x98304xi1>
    %broadcast_in_dim3A_185 = vector.broadcast %broadcast_in_dim3A_184 : vector<1x98304xi1> to vector<4x98304xi1>
    %broadcast_in_dim3A_186 = vector.broadcast %jit3A_183 : f32 to vector<4x98304xf32>
    %select_n3A_187 = arith.select %broadcast_in_dim3A_185, %get3A_1, %broadcast_in_dim3A_186 : vector<4x98304xi1>, vector<4x98304xf32>
    %reduce_sum3A_188 = arith.constant dense<0.000000e+00> : vector<4xf32>
    %reduce_sum3A_189 = vector.multi_reduction <add>, %select_n3A_187, %reduce_sum3A_188 [1] : vector<4x98304xf32> to vector<4xf32>
    %broadcast_in_dim3A_190 = vector.shape_cast %reduce_sum3A_189 : vector<4xf32> to vector<4x1xf32>
    %eq3A_191 = arith.constant 1 : i32
    %eq3A_192 = vector.broadcast %eq3A_191 : i32 to vector<1x98304xi32>
    %eq3A_193 = arith.cmpi eq, %and3A_8, %eq3A_192 : vector<1x98304xi32>
    %jit3A_194 = arith.constant 0.000000e+00 : f32
    %broadcast_in_dim3A_195 = vector.shape_cast %eq3A_193 : vector<1x98304xi1> to vector<1x98304xi1>
    %broadcast_in_dim3A_196 = vector.broadcast %broadcast_in_dim3A_195 : vector<1x98304xi1> to vector<4x98304xi1>
    %broadcast_in_dim3A_197 = vector.broadcast %jit3A_194 : f32 to vector<4x98304xf32>
    %select_n3A_198 = arith.select %broadcast_in_dim3A_196, %get3A_1, %broadcast_in_dim3A_197 : vector<4x98304xi1>, vector<4x98304xf32>
    %reduce_sum3A_199 = arith.constant dense<0.000000e+00> : vector<4xf32>
    %reduce_sum3A_200 = vector.multi_reduction <add>, %select_n3A_198, %reduce_sum3A_199 [1] : vector<4x98304xf32> to vector<4xf32>
    %broadcast_in_dim3A_201 = vector.shape_cast %reduce_sum3A_200 : vector<4xf32> to vector<4x1xf32>
    %eq3A_202 = arith.constant 2 : i32
    %eq3A_203 = vector.broadcast %eq3A_202 : i32 to vector<1x98304xi32>
    %eq3A_204 = arith.cmpi eq, %and3A_8, %eq3A_203 : vector<1x98304xi32>
    %jit3A_205 = arith.constant 0.000000e+00 : f32
    %broadcast_in_dim3A_206 = vector.shape_cast %eq3A_204 : vector<1x98304xi1> to vector<1x98304xi1>
    %broadcast_in_dim3A_207 = vector.broadcast %broadcast_in_dim3A_206 : vector<1x98304xi1> to vector<4x98304xi1>
    %broadcast_in_dim3A_208 = vector.broadcast %jit3A_205 : f32 to vector<4x98304xf32>
    %select_n3A_209 = arith.select %broadcast_in_dim3A_207, %get3A_1, %broadcast_in_dim3A_208 : vector<4x98304xi1>, vector<4x98304xf32>
    %reduce_sum3A_210 = arith.constant dense<0.000000e+00> : vector<4xf32>
    %reduce_sum3A_211 = vector.multi_reduction <add>, %select_n3A_209, %reduce_sum3A_210 [1] : vector<4x98304xf32> to vector<4xf32>
    %broadcast_in_dim3A_212 = vector.shape_cast %reduce_sum3A_211 : vector<4xf32> to vector<4x1xf32>
    %eq3A_213 = arith.constant 3 : i32
    %eq3A_214 = vector.broadcast %eq3A_213 : i32 to vector<1x98304xi32>
    %eq3A_215 = arith.cmpi eq, %and3A_8, %eq3A_214 : vector<1x98304xi32>
    %jit3A_216 = arith.constant 0.000000e+00 : f32
    %broadcast_in_dim3A_217 = vector.shape_cast %eq3A_215 : vector<1x98304xi1> to vector<1x98304xi1>
    %broadcast_in_dim3A_218 = vector.broadcast %broadcast_in_dim3A_217 : vector<1x98304xi1> to vector<4x98304xi1>
    %broadcast_in_dim3A_219 = vector.broadcast %jit3A_216 : f32 to vector<4x98304xf32>
    %select_n3A_220 = arith.select %broadcast_in_dim3A_218, %get3A_1, %broadcast_in_dim3A_219 : vector<4x98304xi1>, vector<4x98304xf32>
    %reduce_sum3A_221 = arith.constant dense<0.000000e+00> : vector<4xf32>
    %reduce_sum3A_222 = vector.multi_reduction <add>, %select_n3A_220, %reduce_sum3A_221 [1] : vector<4x98304xf32> to vector<4xf32>
    %broadcast_in_dim3A_223 = vector.shape_cast %reduce_sum3A_222 : vector<4xf32> to vector<4x1xf32>
    %eq3A_224 = arith.constant 4 : i32
    %eq3A_225 = vector.broadcast %eq3A_224 : i32 to vector<1x98304xi32>
    %eq3A_226 = arith.cmpi eq, %and3A_8, %eq3A_225 : vector<1x98304xi32>
    %jit3A_227 = arith.constant 0.000000e+00 : f32
    %broadcast_in_dim3A_228 = vector.shape_cast %eq3A_226 : vector<1x98304xi1> to vector<1x98304xi1>
    %broadcast_in_dim3A_229 = vector.broadcast %broadcast_in_dim3A_228 : vector<1x98304xi1> to vector<4x98304xi1>
    %broadcast_in_dim3A_230 = vector.broadcast %jit3A_227 : f32 to vector<4x98304xf32>
    %select_n3A_231 = arith.select %broadcast_in_dim3A_229, %get3A_1, %broadcast_in_dim3A_230 : vector<4x98304xi1>, vector<4x98304xf32>
    %reduce_sum3A_232 = arith.constant dense<0.000000e+00> : vector<4xf32>
    %reduce_sum3A_233 = vector.multi_reduction <add>, %select_n3A_231, %reduce_sum3A_232 [1] : vector<4x98304xf32> to vector<4xf32>
    %broadcast_in_dim3A_234 = vector.shape_cast %reduce_sum3A_233 : vector<4xf32> to vector<4x1xf32>
    %eq3A_235 = arith.constant 5 : i32
    %eq3A_236 = vector.broadcast %eq3A_235 : i32 to vector<1x98304xi32>
    %eq3A_237 = arith.cmpi eq, %and3A_8, %eq3A_236 : vector<1x98304xi32>
    %jit3A_238 = arith.constant 0.000000e+00 : f32
    %broadcast_in_dim3A_239 = vector.shape_cast %eq3A_237 : vector<1x98304xi1> to vector<1x98304xi1>
    %broadcast_in_dim3A_240 = vector.broadcast %broadcast_in_dim3A_239 : vector<1x98304xi1> to vector<4x98304xi1>
    %broadcast_in_dim3A_241 = vector.broadcast %jit3A_238 : f32 to vector<4x98304xf32>
    %select_n3A_242 = arith.select %broadcast_in_dim3A_240, %get3A_1, %broadcast_in_dim3A_241 : vector<4x98304xi1>, vector<4x98304xf32>
    %reduce_sum3A_243 = arith.constant dense<0.000000e+00> : vector<4xf32>
    %reduce_sum3A_244 = vector.multi_reduction <add>, %select_n3A_242, %reduce_sum3A_243 [1] : vector<4x98304xf32> to vector<4xf32>
    %broadcast_in_dim3A_245 = vector.shape_cast %reduce_sum3A_244 : vector<4xf32> to vector<4x1xf32>
    %eq3A_246 = arith.constant 6 : i32
    %eq3A_247 = vector.broadcast %eq3A_246 : i32 to vector<1x98304xi32>
    %eq3A_248 = arith.cmpi eq, %and3A_8, %eq3A_247 : vector<1x98304xi32>
    %jit3A_249 = arith.constant 0.000000e+00 : f32
    %broadcast_in_dim3A_250 = vector.shape_cast %eq3A_248 : vector<1x98304xi1> to vector<1x98304xi1>
    %broadcast_in_dim3A_251 = vector.broadcast %broadcast_in_dim3A_250 : vector<1x98304xi1> to vector<4x98304xi1>
    %broadcast_in_dim3A_252 = vector.broadcast %jit3A_249 : f32 to vector<4x98304xf32>
    %select_n3A_253 = arith.select %broadcast_in_dim3A_251, %get3A_1, %broadcast_in_dim3A_252 : vector<4x98304xi1>, vector<4x98304xf32>
    %reduce_sum3A_254 = arith.constant dense<0.000000e+00> : vector<4xf32>
    %reduce_sum3A_255 = vector.multi_reduction <add>, %select_n3A_253, %reduce_sum3A_254 [1] : vector<4x98304xf32> to vector<4xf32>
    %broadcast_in_dim3A_256 = vector.shape_cast %reduce_sum3A_255 : vector<4xf32> to vector<4x1xf32>
    %eq3A_257 = arith.constant 7 : i32
    %eq3A_258 = vector.broadcast %eq3A_257 : i32 to vector<1x98304xi32>
    %eq3A_259 = arith.cmpi eq, %and3A_8, %eq3A_258 : vector<1x98304xi32>
    %jit3A_260 = arith.constant 0.000000e+00 : f32
    %broadcast_in_dim3A_261 = vector.shape_cast %eq3A_259 : vector<1x98304xi1> to vector<1x98304xi1>
    %broadcast_in_dim3A_262 = vector.broadcast %broadcast_in_dim3A_261 : vector<1x98304xi1> to vector<4x98304xi1>
    %broadcast_in_dim3A_263 = vector.broadcast %jit3A_260 : f32 to vector<4x98304xf32>
    %select_n3A_264 = arith.select %broadcast_in_dim3A_262, %get3A_1, %broadcast_in_dim3A_263 : vector<4x98304xi1>, vector<4x98304xf32>
    %reduce_sum3A_265 = arith.constant dense<0.000000e+00> : vector<4xf32>
    %reduce_sum3A_266 = vector.multi_reduction <add>, %select_n3A_264, %reduce_sum3A_265 [1] : vector<4x98304xf32> to vector<4xf32>
    %broadcast_in_dim3A_267 = vector.shape_cast %reduce_sum3A_266 : vector<4xf32> to vector<4x1xf32>
    %concatenate3A = tpu.concatenate %broadcast_in_dim3A_14, %broadcast_in_dim3A_25, %broadcast_in_dim3A_36, %broadcast_in_dim3A_47, %broadcast_in_dim3A_58, %broadcast_in_dim3A_69, %broadcast_in_dim3A_80, %broadcast_in_dim3A_91, %broadcast_in_dim3A_102, %broadcast_in_dim3A_113, %broadcast_in_dim3A_124, %broadcast_in_dim3A_135, %broadcast_in_dim3A_146, %broadcast_in_dim3A_157, %broadcast_in_dim3A_168, %broadcast_in_dim3A_179, %broadcast_in_dim3A_190, %broadcast_in_dim3A_201, %broadcast_in_dim3A_212, %broadcast_in_dim3A_223, %broadcast_in_dim3A_234, %broadcast_in_dim3A_245, %broadcast_in_dim3A_256, %broadcast_in_dim3A_267 in 1 : vector<4x1xf32>, vector<4x1xf32>, vector<4x1xf32>, vector<4x1xf32>, vector<4x1xf32>, vector<4x1xf32>, vector<4x1xf32>, vector<4x1xf32>, vector<4x1xf32>, vector<4x1xf32>, vector<4x1xf32>, vector<4x1xf32>, vector<4x1xf32>, vector<4x1xf32>, vector<4x1xf32>, vector<4x1xf32>, vector<4x1xf32>, vector<4x1xf32>, vector<4x1xf32>, vector<4x1xf32>, vector<4x1xf32>, vector<4x1xf32>, vector<4x1xf32>, vector<4x1xf32> -> vector<4x24xf32>
    %slice3A = vector.extract_strided_slice %concatenate3A {offsets = [0, 0], sizes = [4, 16], strides = [1, 1]} : vector<4x24xf32> to vector<4x16xf32>
    %reduce_sum3A_268 = arith.constant dense<0.000000e+00> : vector<4xf32>
    %reduce_sum3A_269 = vector.multi_reduction <add>, %slice3A, %reduce_sum3A_268 [1] : vector<4x16xf32> to vector<4xf32>
    %broadcast_in_dim3A_270 = vector.shape_cast %reduce_sum3A_269 : vector<4xf32> to vector<4x1xf32>
    %add3A = arith.constant 9.99999997E-7 : f32
    %add3A_271 = vector.broadcast %add3A : f32 to vector<4x1xf32>
    %add3A_272 = arith.addf %broadcast_in_dim3A_270, %add3A_271 : vector<4x1xf32>
    %slice3A_273 = vector.extract_strided_slice %concatenate3A {offsets = [0, 16], sizes = [4, 8], strides = [1, 1]} : vector<4x24xf32> to vector<4x8xf32>
    %reduce_sum3A_274 = arith.constant dense<0.000000e+00> : vector<4xf32>
    %reduce_sum3A_275 = vector.multi_reduction <add>, %slice3A_273, %reduce_sum3A_274 [1] : vector<4x8xf32> to vector<4xf32>
    %broadcast_in_dim3A_276 = vector.shape_cast %reduce_sum3A_275 : vector<4xf32> to vector<4x1xf32>
    %add3A_277 = arith.constant 9.99999997E-7 : f32
    %add3A_278 = vector.broadcast %add3A_277 : f32 to vector<4x1xf32>
    %add3A_279 = arith.addf %broadcast_in_dim3A_276, %add3A_278 : vector<4x1xf32>
    %iota3A = tpu.iota {dimensions = array<i32: 1>} : vector<4x24xi32>
    %lt3A = arith.constant 16 : i32
    %lt3A_280 = vector.broadcast %lt3A : i32 to vector<4x24xi32>
    %lt3A_281 = arith.cmpi slt, %iota3A, %lt3A_280 : vector<4x24xi32>
    %broadcast_in_dim3A_282 = vector.shape_cast %add3A_272 : vector<4x1xf32> to vector<4x1xf32>
    %broadcast_in_dim3A_283 = vector.broadcast %broadcast_in_dim3A_282 : vector<4x1xf32> to vector<4x24xf32>
    %broadcast_in_dim3A_284 = vector.shape_cast %add3A_279 : vector<4x1xf32> to vector<4x1xf32>
    %broadcast_in_dim3A_285 = vector.broadcast %broadcast_in_dim3A_284 : vector<4x1xf32> to vector<4x24xf32>
    %select_n3A_286 = arith.select %lt3A_281, %broadcast_in_dim3A_283, %broadcast_in_dim3A_285 : vector<4x24xi1>, vector<4x24xf32>
    %div3A = arith.divf %concatenate3A, %select_n3A_286 : vector<4x24xf32>
    %get3A_287 = arith.constant 0 : index
    %get3A_288 = arith.constant 0 : index
    %get3A_289 = vector.load %arg2[%get3A_287, %get3A_288] : memref<24x64xf32, #tpu.memory_space<vmem>>, vector<24x64xf32>
    %dot_general3A = arith.constant dense<0.000000e+00> : vector<4x64xf32>
    %dot_general3A_290 = tpu.matmul %div3A, %get3A_289, %dot_general3A {dimension_numbers = #tpu.dot_dimension_numbers<[1], [0], [0], [1], [0, 0, 1, 1], [], []>, transpose_lhs_hint = false} : vector<4x24xf32>, vector<24x64xf32>, vector<4x64xf32> -> vector<4x64xf32>
    %get3A_291 = arith.constant 0 : index
    %get3A_292 = arith.constant 0 : index
    %get3A_293 = vector.load %arg3[%get3A_291, %get3A_292] : memref<1x64xf32, #tpu.memory_space<vmem>>, vector<1x64xf32>
    %add3A_294 = vector.broadcast %get3A_293 : vector<1x64xf32> to vector<4x64xf32>
    %add3A_295 = arith.addf %dot_general3A_290, %add3A_294 : vector<4x64xf32>
    %swap3A = arith.constant 0 : index
    %swap3A_296 = arith.constant 0 : index
    %swap3A_297 = vector.load %arg4[%swap3A, %swap3A_296] : memref<4x64xf32, #tpu.memory_space<vmem>>, vector<4x64xf32>
    tpu.vector_store %arg4[%swap3A, %swap3A_296], %add3A_295 {strides = array<i32>} : memref<4x64xf32, #tpu.memory_space<vmem>>, vector<4x64xf32>,
    return
  }
}

module attributes {stable_mosaic.version = 14 : i64} {
  func.func @_finish_kernel(%arg0: memref<32x384xf32, #tpu.memory_space<vmem>>, %arg1: memref<384x24xf32, #tpu.memory_space<vmem>>, %arg2: memref<24x64xf32, #tpu.memory_space<vmem>>, %arg3: memref<1x64xf32, #tpu.memory_space<vmem>>, %arg4: memref<4x64xf32, #tpu.memory_space<vmem>>) attributes {dimension_semantics = [], scalar_prefetch = 0 : i64, scratch_operands = 0 : i64, tpu.core_type = #tpu.core_type<tc>} {
    %get3A = arith.constant 0 : index
    %get3A_0 = arith.constant 0 : index
    %get3A_1 = vector.load %arg0[%get3A, %get3A_0] : memref<32x384xf32, #tpu.memory_space<vmem>>, vector<32x384xf32>
    %slice3A = vector.extract_strided_slice %get3A_1 {offsets = [0, 0], sizes = [8, 384], strides = [1, 1]} : vector<32x384xf32> to vector<8x384xf32>
    %reduce_sum3A = arith.constant dense<0.000000e+00> : vector<384xf32>
    %reduce_sum3A_2 = vector.multi_reduction <add>, %slice3A, %reduce_sum3A [0] : vector<8x384xf32> to vector<384xf32>
    %broadcast_in_dim3A = vector.shape_cast %reduce_sum3A_2 : vector<384xf32> to vector<1x384xf32>
    %slice3A_3 = vector.extract_strided_slice %get3A_1 {offsets = [8, 0], sizes = [8, 384], strides = [1, 1]} : vector<32x384xf32> to vector<8x384xf32>
    %reduce_sum3A_4 = arith.constant dense<0.000000e+00> : vector<384xf32>
    %reduce_sum3A_5 = vector.multi_reduction <add>, %slice3A_3, %reduce_sum3A_4 [0] : vector<8x384xf32> to vector<384xf32>
    %broadcast_in_dim3A_6 = vector.shape_cast %reduce_sum3A_5 : vector<384xf32> to vector<1x384xf32>
    %slice3A_7 = vector.extract_strided_slice %get3A_1 {offsets = [16, 0], sizes = [8, 384], strides = [1, 1]} : vector<32x384xf32> to vector<8x384xf32>
    %reduce_sum3A_8 = arith.constant dense<0.000000e+00> : vector<384xf32>
    %reduce_sum3A_9 = vector.multi_reduction <add>, %slice3A_7, %reduce_sum3A_8 [0] : vector<8x384xf32> to vector<384xf32>
    %broadcast_in_dim3A_10 = vector.shape_cast %reduce_sum3A_9 : vector<384xf32> to vector<1x384xf32>
    %slice3A_11 = vector.extract_strided_slice %get3A_1 {offsets = [24, 0], sizes = [8, 384], strides = [1, 1]} : vector<32x384xf32> to vector<8x384xf32>
    %reduce_sum3A_12 = arith.constant dense<0.000000e+00> : vector<384xf32>
    %reduce_sum3A_13 = vector.multi_reduction <add>, %slice3A_11, %reduce_sum3A_12 [0] : vector<8x384xf32> to vector<384xf32>
    %broadcast_in_dim3A_14 = vector.shape_cast %reduce_sum3A_13 : vector<384xf32> to vector<1x384xf32>
    %concatenate3A = tpu.concatenate %broadcast_in_dim3A, %broadcast_in_dim3A_6, %broadcast_in_dim3A_10, %broadcast_in_dim3A_14 in 0 : vector<1x384xf32>, vector<1x384xf32>, vector<1x384xf32>, vector<1x384xf32> -> vector<4x384xf32>
    %get3A_15 = arith.constant 0 : index
    %get3A_16 = arith.constant 0 : index
    %get3A_17 = vector.load %arg1[%get3A_15, %get3A_16] : memref<384x24xf32, #tpu.memory_space<vmem>>, vector<384x24xf32>
    %dot_general3A = arith.constant dense<0.000000e+00> : vector<4x24xf32>
    %dot_general3A_18 = tpu.matmul %concatenate3A, %get3A_17, %dot_general3A {dimension_numbers = #tpu.dot_dimension_numbers<[1], [0], [0], [1], [0, 0, 1, 1], [], []>, transpose_lhs_hint = false} : vector<4x384xf32>, vector<384x24xf32>, vector<4x24xf32> -> vector<4x24xf32>
    %slice3A_19 = vector.extract_strided_slice %dot_general3A_18 {offsets = [0, 0], sizes = [4, 16], strides = [1, 1]} : vector<4x24xf32> to vector<4x16xf32>
    %reduce_sum3A_20 = arith.constant dense<0.000000e+00> : vector<4xf32>
    %reduce_sum3A_21 = vector.multi_reduction <add>, %slice3A_19, %reduce_sum3A_20 [1] : vector<4x16xf32> to vector<4xf32>
    %broadcast_in_dim3A_22 = vector.shape_cast %reduce_sum3A_21 : vector<4xf32> to vector<4x1xf32>
    %add3A = arith.constant 9.99999997E-7 : f32
    %add3A_23 = vector.broadcast %add3A : f32 to vector<4x1xf32>
    %add3A_24 = arith.addf %broadcast_in_dim3A_22, %add3A_23 : vector<4x1xf32>
    %slice3A_25 = vector.extract_strided_slice %dot_general3A_18 {offsets = [0, 16], sizes = [4, 8], strides = [1, 1]} : vector<4x24xf32> to vector<4x8xf32>
    %reduce_sum3A_26 = arith.constant dense<0.000000e+00> : vector<4xf32>
    %reduce_sum3A_27 = vector.multi_reduction <add>, %slice3A_25, %reduce_sum3A_26 [1] : vector<4x8xf32> to vector<4xf32>
    %broadcast_in_dim3A_28 = vector.shape_cast %reduce_sum3A_27 : vector<4xf32> to vector<4x1xf32>
    %add3A_29 = arith.constant 9.99999997E-7 : f32
    %add3A_30 = vector.broadcast %add3A_29 : f32 to vector<4x1xf32>
    %add3A_31 = arith.addf %broadcast_in_dim3A_28, %add3A_30 : vector<4x1xf32>
    %iota3A = tpu.iota {dimensions = array<i32: 1>} : vector<4x24xi32>
    %lt3A = arith.constant 16 : i32
    %lt3A_32 = vector.broadcast %lt3A : i32 to vector<4x24xi32>
    %lt3A_33 = arith.cmpi slt, %iota3A, %lt3A_32 : vector<4x24xi32>
    %broadcast_in_dim3A_34 = vector.shape_cast %add3A_24 : vector<4x1xf32> to vector<4x1xf32>
    %broadcast_in_dim3A_35 = vector.broadcast %broadcast_in_dim3A_34 : vector<4x1xf32> to vector<4x24xf32>
    %broadcast_in_dim3A_36 = vector.shape_cast %add3A_31 : vector<4x1xf32> to vector<4x1xf32>
    %broadcast_in_dim3A_37 = vector.broadcast %broadcast_in_dim3A_36 : vector<4x1xf32> to vector<4x24xf32>
    %select_n3A = arith.select %lt3A_33, %broadcast_in_dim3A_35, %broadcast_in_dim3A_37 : vector<4x24xi1>, vector<4x24xf32>
    %div3A = arith.divf %dot_general3A_18, %select_n3A : vector<4x24xf32>
    %get3A_38 = arith.constant 0 : index
    %get3A_39 = arith.constant 0 : index
    %get3A_40 = vector.load %arg2[%get3A_38, %get3A_39] : memref<24x64xf32, #tpu.memory_space<vmem>>, vector<24x64xf32>
    %dot_general3A_41 = arith.constant dense<0.000000e+00> : vector<4x64xf32>
    %dot_general3A_42 = tpu.matmul %div3A, %get3A_40, %dot_general3A_41 {dimension_numbers = #tpu.dot_dimension_numbers<[1], [0], [0], [1], [0, 0, 1, 1], [], []>, transpose_lhs_hint = false} : vector<4x24xf32>, vector<24x64xf32>, vector<4x64xf32> -> vector<4x64xf32>
    %get3A_43 = arith.constant 0 : index
    %get3A_44 = arith.constant 0 : index
    %get3A_45 = vector.load %arg3[%get3A_43, %get3A_44] : memref<1x64xf32, #tpu.memory_space<vmem>>, vector<1x64xf32>
    %add3A_46 = vector.broadcast %get3A_45 : vector<1x64xf32> to vector<4x64xf32>
    %add3A_47 = arith.addf %dot_general3A_42, %add3A_46 : vector<4x64xf32>
    %swap3A = arith.constant 0 : index
    %swap3A_48 = arith.constant 0 : index
    %swap3A_49 = vector.load %arg4[%swap3A, %swap3A_48] : memref<4x64xf32, #tpu.memory_space<vmem>>, vector<4x64xf32>
    tpu.vector_store %arg4[%swap3A, %swap3A_48], %add3A_47 {strides = array<i32>} : memref<4x64xf32, #tpu.memory_space<vmem>>, vector<4x64xf32>,
    return
  }
}

</mosaic_0001>

<sc_bundles>
// kernel: kernel.6.cloned.1.call-start
scs
__scs_entry_jumppad:
0x0: {  	(pc) =	sbr.rel $0x88, $3  }
0x1: {  	(tag) =	ssettag $0x0;
	lr =	simm.s32 $0x1  }
0x2: {  	[smem:$0x3F9E] =	sst lr;
	_ =	strace $0xD0000000  }
0x3: {  	_ = 	snop  }
0x4: {  	_ = 	snop  }
0x5: {  	_ = 	snop  }
0x6: {  	_ = 	snop  }
0x7: {  	_ = 	snop  }
__scs_overlays_trampoline_lowered:
0x8: {  	[smem:$0x3FAD] =	sst s0  }
0x9: {  	[smem:$0x3FAE] =	sst s1  }
0xa: {  	[smem:$0x3FAF] =	sst s2  }
0xb: {  	[smem:$0x3FB0] =	sst s3  }
0xc: {  	[smem:$0x3FB1] =	sst s4  }
0xd: {  	[smem:$0x3FB2] =	sst s5  }
0xe: {  	[smem:$0x3FB3] =	sst s6  }
0xf: {  	[smem:$0x3FB4] =	sst s7  }
0x10: {  	[smem:$0x3FB5] =	sst s8  }
0x11: {  	[smem:$0x3FB6] =	sst s9;
	s0 =	simm.s32 @!p0 $0x0  }
0x12: {  	s1 =	sld [smem:$0x3F9C];
	s0 =	simm.s32 @p0 $0x1  }
0x13: {  	[smem:$0x3FB7] =	sst s0;
	s0 =	simm.s32 @!p1 $0x0  }
0x14: {  	s2 =	sld [smem:$0x3F9B];
	s0 =	simm.s32 @p1 $0x1  }
0x15: {  	[smem:$0x3FB8] =	sst s0;
	s0 =	simm.s32 @!p2 $0x0  }
0x16: {  	s3 =	sld [smem:$0x3FDB];
	s0 =	simm.s32 @p2 $0x1  }
0x17: {  	s4 =	simm.s32 $0x1BF5;
	[smem:$0x3FBA] =	sst s0  }
0x18: {  	s0 =	sld [smem:$0x3F9D];
	_ =	swait.ge [sflag:s4], $0x0  }
0x19: {  	s7 =	sld [smem:$0x3F9E]  }
0x1a: {  	s8 =	sadd.s32 $0xFFFFE003, lr  }
0x1b: {  	s9 =	sadd.s32 $0xFFFFFEF7, lr;
	s5 =	simm.s32 $0xFFFFFFFF;
	p2 =	slt.u32 s8, $0xFFFFF086  }
0x1c: {  	p1 =	slt.u32 s9, $0xF7A;
	s5 =	simm.s32 @!p2 $0x0  }
0x1d: {  	s5 =	simm.s32 @p1 $0x1;
	p0 =	seq.s32 s7, s2  }
0x1e: {  	s7 =	smul.u32 @!p0 $0xF7A, s2;
	p2 =	seq.s32 @!p0 s5, $0x0  }
0x1f: {  	s9 =	smul.u32 $0xF7A, s1;
	s8 =	simm.s32 @!p0 $0x1BF5;
	p2 =	por !p2, p0  }
0x20: {  	[sflag:s8] =	ssyncset.s32 @!p0 $0xFFFFF086;
	s6 =	sadd.s32 @!p0 s3, s7;
	s7 =	simm.s32 @!p0 $0x108  }
0x21: {  	s3 =	sadd.s32 s3, s9;
	s6 =	sadd.s32 @!p0 $0x88, s6;
	s7 =	simm.s32 @p2 $0x1082  }
0x22: {  	[simem:s7], [sflag:s8] =	dma.local @!p0 [hbm:s6], $0xF7A  }
0x23: {  	s9 =	sor.u32 $0xD0000000, s2;
	s6 =	simm.s32 $0x108;
	_ =	swait.ge @!p0 [sflag:s8], $0x0  }
0x24: {  	s3 =	sadd.s32 $0x88, s3;
	s6 =	simm.s32 @!p1 $0x1082;
	[sflag:s4] =	ssyncset.s32 $0xFFFFF086  }
0x25: {  	[simem:s6], [sflag:s4] =	dma.local [hbm:s3], $0xF7A  }
0x26: {  	[smem:$0x3F9E] =	sst s1;
	(tag) =	ssettag s2;
	_ =	strace s9  }
0x27: {  	s1 =	sld [smem:$0x3FAE]  }
0x28: {  	s2 =	sld [smem:$0x3FAF]  }
0x29: {  	s4 =	sld [smem:$0x3FB1]  }
0x2a: {  	p0 =	seq.s32 s5, $0x0;
	s5 =	sld [smem:$0x3FB2]  }
0x2b: {  	s6 =	sld [smem:$0x3FB3]  }
0x2c: {  	s7 =	sld [smem:$0x3FB4]  }
0x2d: {  	s3 =	simm.s32 $0x108;
	s8 =	sld [smem:$0x3FB5]  }
0x2e: {  	s3 =	simm.s32 @!p0 $0x1082;
	s9 =	sld [smem:$0x3FB6]  }
0x2f: {  	lr =	sadd.s32 s0, s3;
	s0 =	sld [smem:$0x3FAD]  }
0x30: {  	s3 =	sld [smem:$0x3FB0]  }
0x31: {  	[smem:$0x3FB9] =	sst s10  }
0x32: {  	s10 =	sld [smem:$0x3FB7];
	_ =	sdelay $0x3  }
0x33: {  	p0 =	seq.s32 s10, $0x1;
	s10 =	sld [smem:$0x3FB9];
	_ =	sdelay $0x3  }
0x34: {  	[smem:$0x3FB9] =	sst s10  }
0x35: {  	s10 =	sld [smem:$0x3FB8];
	_ =	sdelay $0x3  }
0x36: {  	p1 =	seq.s32 s10, $0x1;
	s10 =	sld [smem:$0x3FB9];
	_ =	sdelay $0x3  }
0x37: {  	[smem:$0x3FB9] =	sst s10  }
0x38: {  	s10 =	sld [smem:$0x3FBA]  }
0x39: {  	_ = 	snop;
	(pc) =	sbr.ind lr, $3  }
0x3a: {  	_ = 	snop  }
0x3b: {  	_ = 	snop  }
0x3c: {  	p2 =	seq.s32 s10, $0x1;
	s10 =	sld [smem:$0x3FB9]  }
0x3d: {  	_ =	shalt  }
0x3e: {  	_ =	shalt  }
0x3f: {  	_ =	shalt  }
0x40: {  	_ =	shalt  }
0x41: {  	_ =	shalt  }
0x42: {  	_ =	shalt  }
0x43: {  	_ =	shalt  }
0x44: {  	_ =	shalt  }
0x45: {  	_ =	shalt  }
0x46: {  	_ =	shalt  }
0x47: {  	_ =	shalt  }
0x48: {  	_ =	shalt  }
0x49: {  	_ =	shalt  }
0x4a: {  	_ =	shalt  }
0x4b: {  	_ =	shalt  }
0x4c: {  	_ =	shalt  }
0x4d: {  	_ =	shalt  }
0x4e: {  	_ =	shalt  }
0x4f: {  	_ =	shalt  }
0x50: {  	_ =	shalt  }
0x51: {  	_ =	shalt  }
0x52: {  	_ =	shalt  }
0x53: {  	_ =	shalt  }
0x54: {  	_ =	shalt  }
0x55: {  	_ =	shalt  }
0x56: {  	_ =	shalt  }
0x57: {  	_ =	shalt  }
0x58: {  	_ =	shalt  }
0x59: {  	_ =	shalt  }
0x5a: {  	_ =	shalt  }
0x5b: {  	_ =	shalt  }
0x5c: {  	_ =	shalt  }
0x5d: {  	_ =	shalt  }
0x5e: {  	_ =	shalt  }
0x5f: {  	_ =	shalt  }
0x60: {  	_ =	shalt  }
0x61: {  	_ =	shalt  }
0x62: {  	_ =	shalt  }
0x63: {  	_ =	shalt  }
0x64: {  	_ =	shalt  }
0x65: {  	_ =	shalt  }
0x66: {  	_ =	shalt  }
0x67: {  	_ =	shalt  }
0x68: {  	_ =	shalt  }
0x69: {  	_ =	shalt  }
0x6a: {  	_ =	shalt  }
0x6b: {  	_ =	shalt  }
0x6c: {  	_ =	shalt  }
0x6d: {  	_ =	shalt  }
0x6e: {  	_ =	shalt  }
0x6f: {  	_ =	shalt  }
0x70: {  	_ =	shalt  }
0x71: {  	_ =	shalt  }
0x72: {  	_ =	shalt  }
0x73: {  	_ =	shalt  }
0x74: {  	_ =	shalt  }
0x75: {  	_ =	shalt  }
0x76: {  	_ =	shalt  }
0x77: {  	_ =	shalt  }
0x78: {  	_ =	shalt  }
0x79: {  	_ =	shalt  }
0x7a: {  	_ =	shalt  }
0x7b: {  	_ =	shalt  }
0x7c: {  	_ =	shalt  }
0x7d: {  	_ =	shalt  }
0x7e: {  	_ =	shalt  }
0x7f: {  	_ =	shalt  }
0x80: {  	_ =	shalt  }
0x81: {  	_ =	shalt  }
0x82: {  	_ =	shalt  }
0x83: {  	_ =	shalt  }
0x84: {  	_ =	shalt  }
0x85: {  	_ =	shalt  }
0x86: {  	_ =	shalt  }
0x87: {  	_ =	shalt  }
.Lfunc_end0:
.L_simem_size_0:
called_computation_lowered:
.L_overlay_start_0:
0x88: {  	s2 =	sld [smem:$0x3FD9]  }
0x89: {  	s3 =	sld [smem:$0x3FFE];
	_ =	sdelay $0x1  }
0x8a: {  	s1 =	srdreg.scid  }
0x8b: {  	s0 =	sand.u32 $0x1, s1  }
0x8c: {  	s16 =	sshll.u32 s0, $0xA;
	s2 =	sadd.s32 s3, s2  }
0x8d: {  	s2 =	sadd.s32 s2, s16  }
0x8e: {  	[smem:$0x3FC5] =	sst s2  }
0x8f: {  	_ = 	snop  }
0x90: {  	(tm) =	ssettm $0x1  }
0x91: {  	s17 =	sld [smem:$0x3FFB];
	_ =	sdelay $0x3  }
0x92: {  	_ =	strace s17  }
0x93: {  	s2 =	sld [smem:$0x3FFC];
	_ =	sdelay $0x3  }
0x94: {  	_ =	strace s2  }
0x95: {  	s2 =	sld [smem:$0x3FFD];
	_ =	sdelay $0x3  }
0x96: {  	_ =	strace s2  }
0x97: {  	_ =	strace $0x8FFFFFFF  }
0x98: {  	s18 =	sld [smem:$0x3FDB];
	_ =	sdelay $0x1  }
0x99: {  	s19 =	simm.s32 $_scs_section_size  }
0x9a: {  	s4 =	simm.s32 $_size__tile_overlayer_lowered;
	s5 =	simm.s32 $_tile_overlayer_lowered  }
0x9b: {  	s22 =	simm.s32 $0x1BFF;
	s21 =	sshll.u32 s5, $0x1;
	s2 =	sadd.s32 s19, s18  }
0x9c: {  	s6 =	simm.s32 $0x0;
	s20 =	sshll.u32 s4, $0x1;
	s4 =	sadd.s32 s21, s2  }
0x9d: {  	[timem:s6], [sflag:s22] =	dma.local [hbm:s4], s20  }
0x9e: {  	_ =	swait.ge [sflag:s22], s20  }
0x9f: {  	s3 =	ssub.s32 $0x0, s20;
	[sflag:s22] =	ssyncset.done $0x0  }
0xa0: {  	[sflag:s22] =	ssyncadd.s32 s3;
	_ =	sdelay $0x1  }
0xa1: {  	s23 =	simm.s32 $0x1B8B  }
0xa2: {  	_ =	swait.ge [sflag:s23], $0x1  }
0xa3: {  	[sflag:s23] =	ssyncset.done $0x0  }
0xa4: {  	s25 =	simm.s32 $0x1B8E;
	s24 =	sld [smem:$0x3FFE];
	[sflag:s23] =	ssyncadd.s32 $0xFFFFFFFF  }
0xa5: {  	s26 =	simm.s32 $execute0_lowered;
	[smem:$0x3FD2] =	sst s25  }
0xa6: {  	s4 =	sshll.u32 s26, $0x1;
	_ =	strace $0x80000046;
	[dreg:$0x1] =	wrdreg $0xFFFFFFFF  }
0xa7: {  	s28 =	simm.s32 $_size_execute0_lowered;
	s2 =	sadd.s32 s2, s4;
	[dreg:$0x0] =	wrdreg $0x0  }
0xa8: {  	s4 =	sshll.u32 s28, $0x1;
	[dreg:$0x2] =	wrdreg s2  }
0xa9: {  	[dreg:$0x3] =	wrdreg s4  }
0xaa: {  	[dreg:$0x4] =	wrdreg $0xC0  }
0xab: {  	_ =	task [dreg:s6], $0x5FFFF  }
0xac: {  	[dreg:$0x1] =	wrdreg $0xFFFFFFFF  }
0xad: {  	[dreg:$0x0] =	wrdreg $0x60  }
0xae: {  	[dreg:$0x2] =	wrdreg s24  }
0xaf: {  	[dreg:$0x3] =	wrdreg $0x9  }
0xb0: {  	_ =	task.clear_ibuf [dreg:s6], $0x4FFFF;
	_ =	strace $0x90000046  }
0xb1: {  	s29 =	simm.s32 $0x9;
	_ =	strace $0x80000048  }
0xb2: {  	_ =	swait.ge [sflag:s29], $0x1  }
0xb3: {  	[sflag:s29] =	ssyncadd.s32 $0xFFFFFFFF  }
0xb4: {  	_ =	strace $0x90000048  }
0xb5: {  	_ =	sfence  }
0xb6: {  	s30 =	sld [smem:$0x0];
	_ =	sdelay $0x2  }
0xb7: {  	s31 =	sshll.u32 s1, $0xD;
	s1 =	sshrl.u32 s1, $0x2  }
0xb8: {  	s3 =	sand.u32 $0x4000, s31;
	s1 =	sadd.s32 s1, s30  }
0xb9: {  	s0 =	sor.u32 s3, s0;
	s1 =	sshll.u32 s1, $0x11  }
0xba: {  	s0 =	sor.u32 s1, s0  }
0xbb: {  	s0 =	sadd.s32 $0x8F2B, s0  }
0xbc: {  	[sflag:s0] =	ssyncadd.remote.s32 $0x1  }
0xbd: {  	_ =	sfence.sel $0xFFFF  }
0xbe: {  	[dreg:$0x0] =	wrdreg $0xFFFFFFFF;
	(pc) =	sbr.abs _section_cstart, $3  }
0xbf: {  	[dreg:$0x1] =	wrdreg $0xFFFFFFFF  }
0xc0: {  	_ =	task.clear_ibuf [dreg:s6], $0x2FFFF;
	_ =	strace $0x9FFFFFFF  }
0xc1: {  	(tm) =	ssettm $0x7FFFFFFF  }
tec
execute0_lowered:
.L_overlay_start_1:
0x0: {  	(tag) =	ssettag $0x1  }
0x1: {  	s1 =	srdreg.scid  }
0x2: {  	s0 =	stileid.u32;
	s4 =	rddreg [dreg:$0x0]  }
0x3: {  	s2 =	simm.s32 $0x0;
	s10 =	simm.s32 $0x3000;
	s11 =	simm.s32 $0x6000  }
0x4: {  	s12 =	simm.s32 $0x0;
	s3 =	sand.u32 $0x1, s1;
	s1 =	rddreg [dreg:$0x1]  }
0x5: {  	s29 =	sshll.u32 s0, $0x1;
	[smem:$0x7FF] =	sst s2;
	s8 =	sshll.u32 s0, $0x5  }
0x6: {  	s9 =	sshrl.u32 s0, $0x2;
	s5 =	sor.u32 s3, s29;
	_ =	strace $0x80000047  }
0x7: {  	s8 =	sand.u32 $0x180, s8;
	s30 =	smul.u32 $0xC00, s9;
	s6 =	sand.u32 $0x7, s5  }
0x8: {  	s3 =	ssub.s32 $0x2, s3;
	s5 =	sshll.u32 s5, $0x7;
	s7 =	smul.u32 $0x18000, s6  }
0x9: {  	s9 =	simm.s32 $0x1;
	s6 =	smul.u32 $0x600, s6;
	s5 =	sand.u32 $0x380, s5  }
0xa: {  	s31 =	sshrl.u32 s3, $0x1;
	s5 =	sor.u32 s30, s5;
	s7 =	sor.u32 s8, s7  }
0xb: {  	s6 =	sadd.s32 s6, s4;
	s5 =	sshrl.u32 s5, $0x3;
	s7 =	sshrl.u32 s7, $0x3  }
0xc: {  	s8 =	ssub.s32 s3, s31;
	s5 =	sadd.s32 s5, s4;
	s7 =	sadd.s32 s7, s4  }
0xd: {  	s4 =	sadd.s32 $0x4200, s6;
	s5 =	sadd.s32 $0x1F200, s5;
	s6 =	smax.u32 s8, $0x1  }
0xe: {  	s8 =	simm.s32 $0x400;
	s3 =	sadd.s32 $0x7240, s7;
	s7 =	simm.s32 $0x80  }
.LBB2_1:
0xf: {  	[tilespmem:s2], [sflag:$0x1] =	stream.strided.gather [hbm4b:s3+s7], $0x3000, s8, s7, $0x38;
	[tilespmem:$0x6180] =	vst v63  }
0x10: {  	_ =	swait.ge [sflag:s9], $0x3000  }
0x11: {  	[sflag:s9] =	ssyncset.done $0x0  }
0x12: {  	[sflag:s9] =	ssyncadd.s32 $0xFFFFD000  }
0x13: {  	[tilespmem:s10], [sflag:$0x1] =	stream.linear.gather [hbm4b:s4+s2], $0x3000, $0x38;
	[tilespmem:$0x6180] =	vst v63  }
0x14: {  	_ =	swait.ge [sflag:s9], $0x3000  }
0x15: {  	[sflag:s9] =	ssyncset.done $0x0  }
0x16: {  	s13 =	simm.s32 $0x0;
	[sflag:s9] =	ssyncadd.s32 $0xFFFFD000  }
0x17: {  	v2 =	vld [tilespmem:s13+$0x3000];
	_ =	sdelay $0x2  }
0x18: {  	v1 =	vimm.f32 $0.0e+00  }
0x19: {  	v24 =	vimm.f32 $0.0e+00;
	v16 =	vimm.f32 $0.0e+00;
	v23 =	vimm.f32 $0.0e+00  }
0x1a: {  	v19 =	vimm.f32 $0.0e+00;
	v20 =	vimm.f32 $0.0e+00;
	v6 =	vshrl.u32 v2, $0x3  }
0x1b: {  	v0 =	vld [tilespmem:s13+$0x0];
	v7 =	vand.u32 $0x7, v2;
	vm4 =	veq.s32 v6, $0x0;
	vm3 =	veq.s32 v6, $0x1  }
0x1c: {  	vm7 =	veq.s32 v7, $0x4;
	vm5 =	veq.s32 v6, $0x3;
	vm6 =	veq.s32 v6, $0x4  }
0x1d: {  	vm9 =	veq.s32 v7, $0x7;
	vm10 =	veq.s32 v6, $0x6;
	vm11 =	veq.s32 v6, $0x7  }
0x1e: {  	vm0 =	veq.s32 v7, $0x6;
	vm12 =	veq.s32 v6, $0x9;
	vm2 =	veq.s32 v6, $0xA  }
0x1f: {  	vm1 =	veq.s32 v7, $0x5;
	vm8 =	veq.s32 v7, $0x3;
	vm13 =	veq.s32 v7, $0x2  }
0x20: {  	vm14 =	veq.s32 v6, $0x5;
	vm15 =	veq.s32 v7, $0x0;
	v8 =	vnsel vm5, $0x0, v0  }
0x21: {  	v2 =	vnsel vm6, $0x0, v0;
	v9 =	vnsel vm3, $0x0, v0;
	vm5 =	veq.s32 v6, $0xD  }
0x22: {  	vm3 =	veq.s32 v6, $0xC;
	v5 =	vnsel vm12, $0x0, v0;
	v10 =	vnsel vm4, $0x0, v0  }
0x23: {  	vm12 =	veq.s32 v7, $0x1;
	vm6 =	veq.s32 v6, $0x8;
	vm4 =	veq.s32 v6, $0xE  }
0x24: {  	v7 =	vnsel vm11, $0x0, v0;
	v14 =	vnsel vm15, $0x0, v0;
	v28 =	vnsel vm8, $0x0, v0  }
0x25: {  	v26 =	vnsel vm7, $0x0, v0;
	v4 =	vadd.f32 v2, v1;
	v2 =	vnsel vm9, $0x0, v0  }
0x26: {  	v3 =	vnsel vm5, $0x0, v0;
	vm9 =	veq.s32 v6, $0xF;
	vm5 =	veq.s32 v6, $0x2  }
0x27: {  	v5 =	vadd.f32 v5, v1;
	v11 =	vadd.f32 v9, v1;
	v9 =	vnsel vm10, $0x0, v0  }
0x28: {  	v12 =	vnsel vm6, $0x0, v0;
	v13 =	vadd.f32 v7, v1;
	vm6 =	veq.s32 v6, $0xB  }
0x29: {  	v6 =	vadd.f32 v14, v1;
	v17 =	vadd.f32 v10, v1;
	v10 =	vnsel vm14, $0x0, v0  }
0x2a: {  	v25 =	vnsel vm12, $0x0, v0;
	v7 =	vnsel vm13, $0x0, v0;
	v22 =	vadd.f32 v8, v1  }
0x2b: {  	v8 =	vimm.f32 $0.0e+00;
	v2 =	vadd.f32 v2, v1;
	v3 =	vadd.f32 v3, v1  }
0x2c: {  	v14 =	vimm.f32 $0.0e+00;
	v15 =	vadd.f32 v12, v1;
	v18 =	vadd.f32 v9, v1  }
0x2d: {  	v27 =	vnsel vm9, $0x0, v0;
	v7 =	vadd.f32 v7, v1;
	v21 =	vadd.f32 v10, v1  }
0x2e: {  	s13 =	simm.s32 $0x40;
	v9 =	vimm.f32 $0.0e+00;
	v12 =	vimm.f32 $0.0e+00;
	v10 =	vimm.f32 $0.0e+00  }
.LBB2_2:
0x2f: {  	s14 =	sshra.s32 s13, $0x2;
	p0 =	sne.s32 s13, $0xBFC0;
	s13 =	sadd.s32 $0x40, s13;
	v29 =	vnsel vm5, $0x0, v0;
	v1 =	vadd.f32 v27, v1;
	v8 =	vadd.f32 v28, v8  }
0x30: {  	v28 =	vnsel vm2, $0x0, v0;
	v27 =	vld [tilespmem:s14+$0x3000];
	v24 =	vadd.f32 v29, v24;
	v29 =	vnsel vm4, $0x0, v0  }
0x31: {  	v30 =	vnsel vm3, $0x0, v0;
	v9 =	vadd.f32 v26, v9;
	v16 =	vadd.f32 v29, v16  }
0x32: {  	v26 =	vnsel vm6, $0x0, v0;
	v14 =	vadd.f32 v25, v14;
	v25 =	vnsel vm1, $0x0, v0  }
0x33: {  	v23 =	vadd.f32 v28, v23;
	v19 =	vadd.f32 v26, v19;
	v26 =	vnsel vm0, $0x0, v0  }
0x34: {  	v20 =	vadd.f32 v30, v20;
	v12 =	vadd.f32 v25, v12;
	v0 =	vld [tilespmem:s14+$0x0]  }
0x35: {  	v10 =	vadd.f32 v26, v10;
	v25 =	vshrl.u32 v27, $0x3;
	v27 =	vand.u32 $0x7, v27  }
0x36: {  	vm4 =	veq.s32 v25, $0x0;
	vm3 =	veq.s32 v25, $0x1;
	vm7 =	veq.s32 v27, $0x4  }
0x37: {  	vm5 =	veq.s32 v25, $0x3;
	vm8 =	veq.s32 v25, $0x4;
	vm11 =	veq.s32 v27, $0x7  }
0x38: {  	vm10 =	veq.s32 v25, $0x6;
	vm6 =	veq.s32 v25, $0x7;
	vm0 =	veq.s32 v27, $0x6  }
0x39: {  	vm12 =	veq.s32 v25, $0x9;
	vm2 =	veq.s32 v25, $0xA;
	vm1 =	veq.s32 v27, $0x5  }
0x3a: {  	v26 =	vnsel vm5, $0x0, v0;
	v28 =	vnsel vm8, $0x0, v0;
	vm8 =	veq.s32 v27, $0x3  }
0x3b: {  	vm9 =	veq.s32 v27, $0x2;
	v29 =	vnsel vm3, $0x0, v0;
	vm5 =	veq.s32 v25, $0xD  }
0x3c: {  	vm3 =	veq.s32 v25, $0xC;
	v4 =	vadd.f32 v28, v4;
	v28 =	vnsel vm11, $0x0, v0  }
0x3d: {  	v30 =	vnsel vm5, $0x0, v0;
	vm11 =	veq.s32 v25, $0xF;
	v2 =	vadd.f32 v28, v2  }
0x3e: {  	vm5 =	veq.s32 v25, $0x2;
	v28 =	vnsel vm12, $0x0, v0;
	v3 =	vadd.f32 v30, v3  }
0x3f: {  	v30 =	vnsel vm4, $0x0, v0;
	vm12 =	veq.s32 v27, $0x1;
	v5 =	vadd.f32 v28, v5  }
0x40: {  	vm13 =	veq.s32 v25, $0x5;
	v11 =	vadd.f32 v29, v11;
	v28 =	vnsel vm10, $0x0, v0  }
0x41: {  	vm14 =	veq.s32 v27, $0x0;
	vm4 =	veq.s32 v25, $0xE;
	vm10 =	veq.s32 v25, $0x8  }
0x42: {  	v31 =	vnsel vm14, $0x0, v0;
	v27 =	vnsel vm6, $0x0, v0;
	v29 =	vnsel vm10, $0x0, v0  }
.Ltmp0:
0x43: {  	v6 =	vadd.f32 v31, v6;
	vm6 =	veq.s32 v25, $0xB;
	v13 =	vadd.f32 v27, v13;
	(pc) =	sbr.rel @p0 .LBB2_2-.Ltmp0, $4  }
0x44: {  	v17 =	vadd.f32 v30, v17;
	v30 =	vnsel vm13, $0x0, v0;
	v25 =	vnsel vm12, $0x0, v0  }
0x45: {  	v27 =	vnsel vm11, $0x0, v0;
	v15 =	vadd.f32 v29, v15;
	v29 =	vnsel vm9, $0x0, v0  }
0x46: {  	v18 =	vadd.f32 v28, v18;
	v28 =	vnsel vm8, $0x0, v0;
	v7 =	vadd.f32 v29, v7  }
0x47: {  	v22 =	vadd.f32 v26, v22;
	v26 =	vnsel vm7, $0x0, v0;
	v21 =	vadd.f32 v30, v21  }
0x48: {  	[tilespmem:$0x6000] =	vst v17  }
0x49: {  	[tilespmem:$0x6010] =	vst v11  }
0x4a: {  	[tilespmem:$0x6040] =	vst v4  }
0x4b: {  	[tilespmem:$0x6060] =	vst v18  }
0x4c: {  	[tilespmem:$0x6070] =	vst v13  }
0x4d: {  	[tilespmem:$0x6080] =	vst v15  }
0x4e: {  	[tilespmem:$0x6090] =	vst v5  }
0x4f: {  	[tilespmem:$0x60D0] =	vst v3  }
0x50: {  	[tilespmem:$0x6100] =	vst v6  }
0x51: {  	[tilespmem:$0x6120] =	vst v7  }
0x52: {  	[tilespmem:$0x6170] =	vst v2  }
0x53: {  	v1 =	vadd.f32 v27, v1;
	[tilespmem:$0x6030] =	vst v22  }
0x54: {  	v59 =	vadd.f32 v25, v14;
	[tilespmem:$0x6050] =	vst v21  }
0x55: {  	v60 =	vadd.f32 v28, v8;
	[tilespmem:$0x60F0] =	vst v1  }
0x56: {  	v29 =	vnsel vm5, $0x0, v0;
	v61 =	vadd.f32 v26, v9;
	[tilespmem:$0x6110] =	vst v59  }
0x57: {  	v54 =	vnsel vm2, $0x0, v0;
	v24 =	vadd.f32 v29, v24;
	[tilespmem:$0x6130] =	vst v60  }
0x58: {  	v55 =	vnsel vm6, $0x0, v0;
	v4 =	vadd.f32 v54, v23;
	[tilespmem:$0x6140] =	vst v61  }
0x59: {  	v56 =	vnsel vm3, $0x0, v0;
	v11 =	vadd.f32 v55, v19;
	[tilespmem:$0x6020] =	vst v24  }
0x5a: {  	v58 =	vnsel vm4, $0x0, v0;
	v57 =	vadd.f32 v56, v20;
	[tilespmem:$0x60A0] =	vst v4  }
0x5b: {  	v63 =	vnsel vm0, $0x0, v0;
	[tilespmem:$0x60B0] =	vst v11;
	v4 =	vadd.f32 v58, v16  }
0x5c: {  	v62 =	vnsel vm1, $0x0, v0;
	v0 =	vadd.f32 v63, v10;
	[tilespmem:$0x60C0] =	vst v57  }
0x5d: {  	s12 =	sadd.s32 $0x1, s12;
	[tilespmem:$0x60E0] =	vst v4;
	v4 =	vadd.f32 v62, v12  }
0x5e: {  	p0 =	sne.s32 s12, s6;
	[tilespmem:$0x6160] =	vst v0  }
.Ltmp1:
0x5f: {  	[tilespmem:$0x6150] =	vst v4;
	(pc) =	sbr.rel @p0 .LBB2_1-.Ltmp1, $4  }
0x60: {  	[hbm4b:s5+s7] =	stream.strided.scatter [tilespmem:s11], [sflag:$0x1], $0x180, s8, s7, $0x38;
	[tilespmem:$0x6180] =	vst v63  }
0x61: {  	_ =	swait.ge [sflag:s9], $0x180  }
0x62: {  	[sflag:s9] =	ssyncset.done $0x0  }
0x63: {  	[sflag:s9] =	ssyncadd.s32 $0xFFFFFE80  }
0x64: {  	_ =	sfence.sel $0x180000  }
0x65: {  	[bflag:$0x0] =	sbarrier.arrive $0xFFFF  }
0x66: {  	p0 =	sne.s32 s0, $0x0;
	_ =	strace $0x90000047  }
0x67: {  	s0 =	sadd.s32 @!p0 $0x100000, s1;
	[bflag:$0x2] =	sbarrier.arrive $0xFFFF  }
0x68: {  	[sflag:s0] =	ssyncadd.tile.s32 @!p0 $0x1;
	_ =	shalt  }
.Lfunc_end2:
_tile_overlayer_lowered:
.L_overlay_start_2:
0x69: {  	(tag) =	ssettag $0x2  }
0x6a: {  	s0 =	rddreg [dreg:$0x0];
	s2 =	stileid.u32  }
0x6b: {  	s1 =	rddreg [dreg:$0x1];
	p0 =	sne.s32 s2, $0x0  }
0x6c: {  	s3 =	rddreg [dreg:$0x2];
	[bflag:$0x3] =	sbarrier.arrive $0xFFFF;
	s2 =	simm.s32 @!p0 $0x1C01  }
0x6d: {  	[timem:s3], [sflag:s2] =	dma.local @!p0 [hbm:s0], s1  }
0x6e: {  	s0 =	simm.s32 @!p0 $0x1  }
0x6f: {  	_ =	swait.ge @!p0 [sflag:s0], s1  }
0x70: {  	s1 =	ssub.s32 @!p0 $0x0, s1;
	[sflag:s0] =	ssyncset.done @!p0 $0x0  }
0x71: {  	[sflag:s0] =	ssyncadd.s32 @!p0 s1  }
0x72: {  	[bflag:$0x3] =	sbarrier.arrive $0xFFFF  }
0x73: {  	_ =	shalt  }

</sc_bundles>
